<compile_context>
chip_gen: v7x
topology: tpu7x:2x2x1
jax: 0.10.2.dev20260603
libtpu: 0.0.44.dev20260713+nightly
codegen_flags: <defaults>
</compile_context>

<pallas_src>
import functools
import math

import jax
import jax.numpy as jnp
import numpy as np
from jax import lax
from jax.experimental import pallas as pl
from jax.experimental.pallas import tpu as pltpu
from jax.experimental.pallas import tpu_sc as plsc

N = 10000
E = 5000
M = 320000
EN = E + N
D = 128
H = 8
DH = 16
HID = 256
PE_DIM = 64
MAXK = 16

NC = 2
NS = 16
SC_B = 80
NCHUNK = M // SC_B
TBLK = NCHUNK // NS
NBUF = 5
NROUND = TBLK // NBUF
TW = 80
VH = 64
N_PAD = 10112
ZROWS = N_PAD // NS


def _sin_pe(max_len, d):
    pos = np.arange(max_len)[:, None].astype(np.float64)
    div = np.exp(np.arange(0, d, 2).astype(np.float64) * (-math.log(10000.0) / d))
    pe = np.zeros((max_len, d), dtype=np.float64)
    pe[:, 0::2] = np.sin(pos * div)
    pe[:, 1::2] = np.cos(pos * div)
    return pe.astype(np.float32)


_PE1 = np.zeros((32, D), np.float32)
_PE1[: MAXK + 1] = _sin_pe(MAXK + 1, D)
_PE2 = _sin_pe(2, D)
_PEQ = _sin_pe(2, PE_DIM)

_PRE_BLK = 1000
_PRE_GRID = EN // _PRE_BLK
_EBLK = E // _PRE_BLK
_POST_BLK = 1000
_POST_GRID = N // _POST_BLK


def _ln(x, g, b):
    mu = jnp.mean(x, axis=-1, keepdims=True)
    var = jnp.mean((x - mu) ** 2, axis=-1, keepdims=True)
    return (x - mu) * lax.rsqrt(var + 1e-5) * g + b


def _head_expand_mat(dtype=jnp.float32):
    r = lax.broadcasted_iota(jnp.int32, (16, D), 0)
    c = lax.broadcasted_iota(jnp.int32, (16, D), 1) // DH
    return (r == c).astype(dtype)


def _pre_body(xe_ref, xv_ref, ord_ref, ln1g, ln1b, pe1t, w1a, w1b, b1, w2, b2,
              kw, kb, vw, vb, qw1, qb1, qw2, qb2, peq,
              v_ref, lg_ref, att0_ref, gmax_ref,
              macc, sacc, aacc, gmacc):
    i = pl.program_id(0)

    is_edge = i < _EBLK
    xb = jnp.where(is_edge, xe_ref[...], xv_ref[...])
    ordb = jnp.where(is_edge, ord_ref[...], 1)
    ln = _ln(xb, ln1g[...], ln1b[...])
    oh = (ordb == lax.broadcasted_iota(
        jnp.int32, (_PRE_BLK, 32), 1)).astype(jnp.float32)
    pe = oh @ pe1t[...]
    h1 = jnp.maximum(ln @ w1a[...] + pe @ w1b[...] + b1[...], 0.0)
    xh = xb + h1 @ w2[...] + b2[...]
    k = xh @ kw[...] + kb[...]
    vv = xh @ vw[...] + vb[...]
    v_ref[...] = vv

    qh = jnp.maximum(peq[...] @ qw1[...] + qb1[...], 0.0) @ qw2[...] + qb2[...]
    q0f = qh[0:1, :]
    q1f = qh[1:2, :]

    sr = lax.broadcasted_iota(jnp.int32, (D, 16), 0) // DH
    sc = lax.broadcasted_iota(jnp.int32, (D, 16), 1)
    s16 = (sr == sc).astype(jnp.float32)
    st = _head_expand_mat()

    l0s = ((k[:, :D] * q0f) @ s16) * 0.25
    l1s = ((k[:, D:] * q1f) @ s16) * 0.25
    lg_ref[...] = l1s
    l0e = l0s @ st

    @pl.when(i == 0)
    def _init():
        macc[...] = jnp.full((1, D), -1e30, jnp.float32)
        sacc[...] = jnp.zeros((1, D), jnp.float32)
        aacc[...] = jnp.zeros((1, D), jnp.float32)
        gmacc[...] = jnp.full((1, 16), -1e30, jnp.float32)

    m_old = macc[...]
    m_new = jnp.maximum(m_old, jnp.max(l0e, axis=0, keepdims=True))
    corr = jnp.exp(m_old - m_new)
    p = jnp.exp(l0e - m_new)
    sacc[...] = sacc[...] * corr + jnp.sum(p, axis=0, keepdims=True)
    aacc[...] = aacc[...] * corr + jnp.sum(p * vv, axis=0, keepdims=True)
    macc[...] = m_new
    gmacc[...] = jnp.maximum(gmacc[...], jnp.max(l1s, axis=0, keepdims=True))

    @pl.when(i == _PRE_GRID - 1)
    def _fin():
        att0_ref[...] = aacc[...] / sacc[...]
        gmax_ref[...] = gmacc[...]


def _pre_call(x_e, x_v, orde, p):
    cb = lambda shape: pl.BlockSpec(shape, lambda i: (0, 0))
    out_shapes = (
        jax.ShapeDtypeStruct((EN, D), jnp.float32),
        jax.ShapeDtypeStruct((EN, 16), jnp.float32),
        jax.ShapeDtypeStruct((1, D), jnp.float32),
        jax.ShapeDtypeStruct((1, 16), jnp.float32),
    )
    return pl.pallas_call(
        _pre_body,
        grid=(_PRE_GRID,),
        in_specs=[
            pl.BlockSpec((_PRE_BLK, D),
                         lambda i: (jnp.minimum(i, _EBLK - 1), 0)),
            pl.BlockSpec((_PRE_BLK, D),
                         lambda i: (jnp.maximum(i - _EBLK, 0), 0)),
            pl.BlockSpec((_PRE_BLK, 1),
                         lambda i: (jnp.minimum(i, _EBLK - 1), 0)),
            cb((1, D)), cb((1, D)), cb((32, D)),
            cb((D, HID)), cb((D, HID)), cb((1, HID)), cb((HID, D)), cb((1, D)),
            cb((D, 2 * D)), cb((1, 2 * D)), cb((D, D)), cb((1, D)),
            cb((PE_DIM, HID)), cb((1, HID)), cb((HID, H * DH)), cb((1, H * DH)),
            cb((2, PE_DIM)),
        ],
        out_specs=(
            pl.BlockSpec((_PRE_BLK, D), lambda i: (i, 0)),
            pl.BlockSpec((_PRE_BLK, 16), lambda i: (i, 0)),
            pl.BlockSpec((1, D), lambda i: (0, 0)),
            pl.BlockSpec((1, 16), lambda i: (0, 0)),
        ),
        out_shape=out_shapes,
        scratch_shapes=[pltpu.VMEM((1, D), jnp.float32)] * 3
        + [pltpu.VMEM((1, 16), jnp.float32)],
    )(
        x_e, x_v, orde.reshape(E, 1),
        p['ln1g'].reshape(1, D), p['ln1b'].reshape(1, D), jnp.asarray(_PE1),
        p['m1W1'][:D], p['m1W1'][D:], p['m1b1'].reshape(1, HID),
        p['m1W2'], p['m1b2'].reshape(1, D),
        p['kW'], p['kb'].reshape(1, 2 * D), p['vW'], p['vb'].reshape(1, D),
        p['qW1'], p['qb1'].reshape(1, HID), p['qW2'], p['qb2'].reshape(1, H * DH),
        jnp.asarray(_PEQ),
    )


def _mid_body(lg_ref, v_ref, gmax_ref, t0_ref, t1_ref):
    ex = jnp.exp(lg_ref[...] - gmax_ref[...])
    wv = (ex @ _head_expand_mat()) * v_ref[...]
    t0_ref[...] = jnp.concatenate([wv[:, :VH], ex], axis=1)
    t1_ref[...] = jnp.concatenate([wv[:, VH:], ex], axis=1)


def _mid_call(lg, v, gmax_hot):
    return pl.pallas_call(
        _mid_body,
        grid=(_PRE_GRID,),
        in_specs=[
            pl.BlockSpec((_PRE_BLK, 16), lambda i: (i, 0)),
            pl.BlockSpec((_PRE_BLK, D), lambda i: (i, 0)),
            pl.BlockSpec((1, 16), lambda i: (0, 0)),
        ],
        out_specs=(
            pl.BlockSpec((_PRE_BLK, TW), lambda i: (i, 0)),
            pl.BlockSpec((_PRE_BLK, TW), lambda i: (i, 0)),
        ),
        out_shape=(
            jax.ShapeDtypeStruct((EN, TW), jnp.float32),
            jax.ShapeDtypeStruct((EN, TW), jnp.float32),
        ),
    )(lg, v, gmax_hot)


def _sc_body(idx0_hbm, idx1_hbm, t0_hbm, t1_hbm, z_hbm, acc_hbm,
             idx0_st, idx1_st, rows, acc_sh, gsem):
    c = lax.axis_index("c")
    s = lax.axis_index("s")

    pltpu.sync_copy(z_hbm.at[pl.ds(s * ZROWS, ZROWS)],
                    acc_sh.at[pl.ds(s * ZROWS, ZROWS)])
    tbase = s * TBLK
    pltpu.sync_copy(idx0_hbm.at[pl.ds(tbase, TBLK)], idx0_st)
    pltpu.sync_copy(idx1_hbm.at[pl.ds(tbase, TBLK)], idx1_st)
    plsc.subcore_barrier()

    def pipeline(tbl_hbm):
        def issue(b, ch):
            pltpu.async_copy(tbl_hbm.at[idx1_st.at[ch]], rows[b], gsem[b])

        def drain_scatter(b, ch):
            pltpu.make_async_copy(tbl_hbm.at[idx1_st.at[ch]], rows[b],
                                  gsem[b]).wait()
            pltpu.sync_copy(rows[b], acc_sh.at[idx0_st.at[ch]], add=True)

        for b in range(NBUF):
            issue(b, b)

        def rnd(i, carry):
            for b in range(NBUF):
                ch = i * NBUF + b
                drain_scatter(b, ch)

                @pl.when(ch + NBUF < TBLK)
                def _issue(b=b, ch=ch):
                    issue(b, ch + NBUF)
            return carry

        lax.fori_loop(0, NROUND, rnd, 0)

    @pl.when(c == 0)
    def _core0():
        pipeline(t0_hbm)

    @pl.when(c == 1)
    def _core1():
        pipeline(t1_hbm)

    plsc.subcore_barrier()

    r0 = s * ZROWS
    pltpu.sync_copy(acc_sh.at[pl.ds(r0, ZROWS)], acc_hbm.at[c, pl.ds(r0, ZROWS)])


@functools.partial(jax.jit, static_argnames=())
def _sc_call(idx0, idx1, t0, t1, z):
    mesh = plsc.VectorSubcoreMesh(core_axis_name="c", subcore_axis_name="s",
                                  num_cores=NC, num_subcores=NS)
    kfn = pl.kernel(
        _sc_body,
        out_type=jax.ShapeDtypeStruct((NC, N_PAD, TW), jnp.float32),
        mesh=mesh,
        scratch_types=[
            pltpu.VMEM((TBLK, SC_B), jnp.int32),
            pltpu.VMEM((TBLK, SC_B), jnp.int32),
            [pltpu.VMEM((SC_B, TW), jnp.float32) for _ in range(NBUF)],
            pltpu.VMEM_SHARED((N_PAD, TW), jnp.float32),
            [pltpu.SemaphoreType.DMA for _ in range(NBUF)],
        ],
        compiler_params=pltpu.CompilerParams(use_tc_tiling_on_sc=False),
    )
    return kfn(idx0, idx1, t0, t1, z)


def _post_body(a0_ref, a1_ref, att0_ref,
               ln2g, ln2b, w1a, w1b, b1, w2, b2,
               ln3g, ln3b, w31, b31, w32, b32, bias, pe2,
               out_ref):
    st = _head_expand_mat()
    a0 = a0_ref[...]
    den = a0[:, VH:] @ st + 1e-12
    att1 = jnp.concatenate([a0[:, :VH], a1_ref[:, :VH]], axis=1) / den

    a0 = att0_ref[...]
    h0 = jnp.maximum(_ln(a0, ln2g[...], ln2b[...]) @ w1a[...]
                     + pe2[0:1, :] @ w1b[...] + b1[...], 0.0)
    a0p = a0 + h0 @ w2[...] + b2[...]

    h1 = jnp.maximum(_ln(att1, ln2g[...], ln2b[...]) @ w1a[...]
                     + pe2[1:2, :] @ w1b[...] + b1[...], 0.0)
    a1p = att1 + h1 @ w2[...] + b2[...]

    xx = a0p + a1p
    h3 = jnp.maximum(_ln(xx, ln3g[...], ln3b[...]) @ w31[...] + b31[...], 0.0)
    xx = xx + h3 @ w32[...] + b32[...]
    out_ref[...] = xx + bias[...]


def _post_call(a0, a1, att0, p):
    cb = lambda shape: pl.BlockSpec(shape, lambda i: (0, 0))
    return pl.pallas_call(
        _post_body,
        grid=(_POST_GRID,),
        in_specs=[
            pl.BlockSpec((_POST_BLK, TW), lambda i: (i, 0)),
            pl.BlockSpec((_POST_BLK, TW), lambda i: (i, 0)),
            cb((1, D)),
            cb((1, D)), cb((1, D)),
            cb((D, HID)), cb((D, HID)), cb((1, HID)), cb((HID, D)), cb((1, D)),
            cb((1, D)), cb((1, D)),
            cb((D, HID)), cb((1, HID)), cb((HID, D)), cb((1, D)),
            cb((1, D)), cb((2, D)),
        ],
        out_specs=pl.BlockSpec((_POST_BLK, D), lambda i: (i, 0)),
        out_shape=jax.ShapeDtypeStruct((N, D), jnp.float32),
    )(
        a0, a1, att0,
        p['ln2g'].reshape(1, D), p['ln2b'].reshape(1, D),
        p['m2W1'][:D], p['m2W1'][D:], p['m2b1'].reshape(1, HID),
        p['m2W2'], p['m2b2'].reshape(1, D),
        p['ln3g'].reshape(1, D), p['ln3b'].reshape(1, D),
        p['m3W1'], p['m3b1'].reshape(1, HID), p['m3W2'], p['m3b2'].reshape(1, D),
        p['bias'].reshape(1, D), jnp.asarray(_PE2),
    )


def kernel(x_v, x_e, edge_orders, indices_with_nodes, params):
    v_all, lg, att0, gmax_rep = _pre_call(
        x_e, x_v, edge_orders.astype(jnp.int32), params)

    gmax_hot = jnp.concatenate(
        [gmax_rep[0, :H], jnp.full((8,), 1e30, jnp.float32)]).reshape(1, 16)
    t0, t1 = _mid_call(lg, v_all, gmax_hot)

    i0 = indices_with_nodes[0].reshape(NCHUNK, SC_B)
    i1 = indices_with_nodes[1].reshape(NCHUNK, SC_B)
    z = jnp.zeros((N_PAD, TW), jnp.float32)
    acc = _sc_call(i0, i1, t0, t1, z)

    return _post_call(acc[0], acc[1], att0, params)

# --- scband reference (transcript-rebuilt; emitter-appended) ---
"""Pipeline reference for scband-self-attn-e2-v-43336220017261 (READ-ONLY COPY).

The authoritative reference and input builder live on the scoring server;
editing this copy changes nothing except your own understanding.
"""

import math
import jax
import jax.numpy as jnp
import numpy as np

N = 10000
E = 5000
M = 320000
D = 128
DQK = 128
H = 8
DH = 16
DVH = 16
PE_DIM = 64
HID = 256
MAXK = 16

def _sin_pe(max_len, d):
    pos = np.arange(max_len)[:, None].astype(np.float64)
    div = np.exp(np.arange(0, d, 2).astype(np.float64) * (-math.log(10000.0) / d))
    pe = np.zeros((max_len, d), dtype=np.float64)
    pe[:, 0::2] = np.sin(pos * div)
    pe[:, 1::2] = np.cos(pos * div)
    return jnp.asarray(pe, dtype=jnp.float32)

def _mlp(x, W1, b1, W2, b2):
    return jax.nn.relu(x @ W1 + b1) @ W2 + b2

def _ln(x, g, b):
    mu = jnp.mean(x, axis=-1, keepdims=True)
    var = jnp.var(x, axis=-1, keepdims=True)
    return (x - mu) / jnp.sqrt(var + 1e-5) * g + b

def _forward(x_v, x_e, params, edge_orders, indices_with_nodes):
    p = params
    pe1 = _sin_pe(MAXK + 1, D)
    pe2 = _sin_pe(2, D)
    peq = _sin_pe(2, PE_DIM)
    pe1_k1 = pe1[1][None, :]
    pe1_k = pe1[edge_orders]
    x_v = x_v + _mlp(jnp.concatenate([_ln(x_v, p['ln1g'], p['ln1b']), jnp.broadcast_to(pe1_k1, x_v.shape)], -1), p['m1W1'], p['m1b1'], p['m1W2'], p['m1b2'])
    x_e = x_e + _mlp(jnp.concatenate([_ln(x_e, p['ln1g'], p['ln1b']), jnp.broadcast_to(pe1_k, x_e.shape)], -1), p['m1W1'], p['m1b1'], p['m1W2'], p['m1b2'])
    q0 = _mlp(peq[0][None, :], p['qW1'], p['qb1'], p['qW2'], p['qb2']).reshape(H, DH)
    q1 = _mlp(peq[1][None, :], p['qW1'], p['qb1'], p['qW2'], p['qb2']).reshape(H, DH)
    k_v = x_v @ p['kW'] + p['kb']
    k_e = x_e @ p['kW'] + p['kb']
    k_v0 = k_v[:, :DQK].reshape(-1, H, DH)
    k_v1 = k_v[:, DQK:].reshape(-1, H, DH)
    k_e0 = k_e[:, :DQK].reshape(-1, H, DH)
    k_e1 = k_e[:, DQK:].reshape(-1, H, DH)
    k0 = jnp.concatenate([k_e0, k_v0], axis=0)
    v_v = (x_v @ p['vW'] + p['vb']).reshape(-1, H, DVH)
    v_e = (x_e @ p['vW'] + p['vb']).reshape(-1, H, DVH)
    v = jnp.concatenate([v_e, v_v], axis=0)
    logit0 = jnp.einsum('hd,ehd->eh', q0, k0) / math.sqrt(DH)
    alpha0 = jax.nn.softmax(logit0, axis=0)
    att0 = jnp.einsum('eh,ehd->hd', alpha0, v).reshape(1, H * DVH)
    logit1 = jnp.einsum('hd,nhd->nh', q1, jnp.concatenate([k_e1, k_v1], axis=0)) / math.sqrt(DH)
    idx0 = indices_with_nodes[0]
    idx1 = indices_with_nodes[1]
    vals = logit1[idx1]
    seg_max = jax.ops.segment_max(vals, idx0, num_segments=N)
    seg_max = jnp.where(jnp.isfinite(seg_max), seg_max, 0.0)
    seg_max = jax.lax.stop_gradient(seg_max)
    ex = jnp.exp(vals - seg_max[idx0])
    denom = jax.ops.segment_sum(ex, idx0, num_segments=N)
    alpha = ex / (denom[idx0] + 1e-12)
    att1 = jax.ops.segment_sum(alpha[:, :, None] * v[idx1], idx0, num_segments=N).reshape(N, H * DVH)
    att0 = att0 + _mlp(jnp.concatenate([_ln(att0, p['ln2g'], p['ln2b']), jnp.broadcast_to(pe2[0][None, :], att0.shape)], -1), p['m2W1'], p['m2b1'], p['m2W2'], p['m2b2'])
    att1 = att1 + _mlp(jnp.concatenate([_ln(att1, p['ln2g'], p['ln2b']), jnp.broadcast_to(pe2[1][None, :], att1.shape)], -1), p['m2W1'], p['m2b1'], p['m2W2'], p['m2b2'])
    x = att0 + att1
    x = x + _mlp(_ln(x, p['ln3g'], p['ln3b']), p['m3W1'], p['m3b1'], p['m3W2'], p['m3b2'])
    x = x + p['bias']
    return x

def setup_inputs(seed: int = 0):
    key = jax.random.key(seed)
    ks = jax.random.split(key, 20)
    def pr(i, shape, scale=0.05):
        return jax.random.normal(ks[i], shape, jnp.float32) * scale
    params = {
        'kW': pr(4, (D, 2 * DQK)), 'kb': jnp.zeros((2 * DQK,), jnp.float32),
        'vW': pr(5, (D, D)), 'vb': jnp.zeros((D,), jnp.float32),
        'qW1': pr(6, (PE_DIM, HID)), 'qb1': jnp.zeros((HID,), jnp.float32),
        'qW2': pr(7, (HID, H * DH)), 'qb2': jnp.zeros((H * DH,), jnp.float32),
        'm1W1': pr(8, (2 * D, HID)), 'm1b1': jnp.zeros((HID,), jnp.float32),
        'm1W2': pr(9, (HID, D)), 'm1b2': jnp.zeros((D,), jnp.float32),
        'm2W1': pr(10, (2 * D, HID)), 'm2b1': jnp.zeros((HID,), jnp.float32),
        'm2W2': pr(11, (HID, D)), 'm2b2': jnp.zeros((D,), jnp.float32),
        'm3W1': pr(12, (D, HID)), 'm3b1': jnp.zeros((HID,), jnp.float32),
        'm3W2': pr(13, (HID, D)), 'm3b2': jnp.zeros((D,), jnp.float32),
        'ln1g': jnp.ones((D,), jnp.float32), 'ln1b': jnp.zeros((D,), jnp.float32),
        'ln2g': jnp.ones((D,), jnp.float32), 'ln2b': jnp.zeros((D,), jnp.float32),
        'ln3g': jnp.ones((D,), jnp.float32), 'ln3b': jnp.zeros((D,), jnp.float32),
        'bias': pr(14, (D,)),
    }
    row0 = jax.random.randint(ks[2], (M,), 0, N, jnp.int32)
    row1 = jax.random.randint(ks[3], (M,), 0, E + N, jnp.int32)
    return {
        'x_v': jax.random.normal(ks[0], (N, D), jnp.float32),
        'x_e': jax.random.normal(ks[1], (E, D), jnp.float32),
        'edge_orders': jax.random.randint(ks[15], (E,), 0, MAXK + 1, jnp.int32),
        'indices_with_nodes': jnp.stack([row0, row1], axis=0),
        'params': params,
    }

def reference(x_v, x_e, edge_orders, indices_with_nodes, params):
    return _forward(x_v, x_e, params, edge_orders, indices_with_nodes)

if __name__ == "__main__":
    import jax
    _d = setup_inputs()
    print(jax.jit(kernel)(*tuple(_d.values())))

</pallas_src>

<mosaic_0001>
#map = affine_map<(d0, d1) -> (0, 0)>
#map1 = affine_map<(d0, d1) -> (0, 0, 0)>
module attributes {stable_mosaic.version = 14 : i64} {
  func.func @_sc_body(%arg0: i32, %arg1: i32, %arg2: memref<4000x80xi32, #tpu.memory_space<hbm>>, %arg3: memref<4000x80xi32, #tpu.memory_space<hbm>>, %arg4: memref<15000x80xf32, #tpu.memory_space<hbm>>, %arg5: memref<15000x80xf32, #tpu.memory_space<hbm>>, %arg6: memref<10112x80xf32, #tpu.memory_space<hbm>>, %arg7: memref<2x10112x80xf32, #tpu.memory_space<hbm>>, %arg8: memref<250x80xi32, #tpu.memory_space<vmem>>, %arg9: memref<250x80xi32, #tpu.memory_space<vmem>>, %arg10: memref<80x80xf32, #tpu.memory_space<vmem>>, %arg11: memref<80x80xf32, #tpu.memory_space<vmem>>, %arg12: memref<80x80xf32, #tpu.memory_space<vmem>>, %arg13: memref<80x80xf32, #tpu.memory_space<vmem>>, %arg14: memref<80x80xf32, #tpu.memory_space<vmem>>, %arg15: memref<10112x80xf32, #tpu.memory_space<vmem_shared>>, %arg16: memref<!tpu.dma_semaphore, #tpu.memory_space<semaphore_mem>>, %arg17: memref<!tpu.dma_semaphore, #tpu.memory_space<semaphore_mem>>, %arg18: memref<!tpu.dma_semaphore, #tpu.memory_space<semaphore_mem>>, %arg19: memref<!tpu.dma_semaphore, #tpu.memory_space<semaphore_mem>>, %arg20: memref<!tpu.dma_semaphore, #tpu.memory_space<semaphore_mem>>) attributes {dimension_semantics = [#tpu.dimension_semantics<core_parallel>, #tpu.dimension_semantics<subcore_parallel>], iteration_bounds = array<i64: 2, 16>, scalar_prefetch = 0 : i64, scratch_operands = 13 : i64, tpu.core_type = #tpu.core_type<sc_vector_subcore>, window_params = [{transform_indices = #map}, {transform_indices = #map}, {transform_indices = #map}, {transform_indices = #map}, {transform_indices = #map}, {transform_indices = #map1}]} {
    %mul3A = arith.constant 632 : i32
    %mul3A_0 = arith.muli %arg1, %mul3A : i32
    %mul3A_1 = arith.constant 632 : i32
    %mul3A_2 = arith.muli %arg1, %mul3A_1 : i32
    "tpu.region"() ({
      %run_scoped3A = tpu.sem_alloc : memref<!tpu.dma_semaphore, #tpu.memory_space<semaphore_mem>>
      %dma_start3A = arith.constant 0 : i32
      %dma_start3A_15 = tpu.memref_slice %arg15[%mul3A_2, %dma_start3A] : memref<10112x80xf32, #tpu.memory_space<vmem_shared>> -> memref<632x80xf32, #tpu.memory_space<vmem_shared>>
      %dma_start3A_16 = arith.constant 0 : i32
      %dma_start3A_17 = tpu.memref_slice %arg6[%mul3A_0, %dma_start3A_16] : memref<10112x80xf32, #tpu.memory_space<hbm>> -> memref<632x80xf32, #tpu.memory_space<hbm>>
      tpu.enqueue_dma source(%dma_start3A_17 : memref<632x80xf32, #tpu.memory_space<hbm>>) target(%dma_start3A_15 : memref<632x80xf32, #tpu.memory_space<vmem_shared>>) target_semaphore(%run_scoped3A : memref<!tpu.dma_semaphore, #tpu.memory_space<semaphore_mem>>)
      %dma_wait3A = arith.constant 0 : i32
      %dma_wait3A_18 = tpu.memref_slice %arg15[%mul3A_2, %dma_wait3A] : memref<10112x80xf32, #tpu.memory_space<vmem_shared>> -> memref<632x80xf32, #tpu.memory_space<vmem_shared>>
      %dma_wait3A_19 = arith.constant 0 : i32
      %dma_wait3A_20 = tpu.memref_slice %arg6[%mul3A_0, %dma_wait3A_19] : memref<10112x80xf32, #tpu.memory_space<hbm>> -> memref<632x80xf32, #tpu.memory_space<hbm>>
      tpu.wait_dma2 semaphore(%run_scoped3A : memref<!tpu.dma_semaphore, #tpu.memory_space<semaphore_mem>>) src(%dma_wait3A_20 : memref<632x80xf32, #tpu.memory_space<hbm>>) dst(%dma_wait3A_18 : memref<632x80xf32, #tpu.memory_space<vmem_shared>>)
      tpu.yield
    }) : () -> ()
    %mul3A_3 = arith.constant 250 : i32
    %mul3A_4 = arith.muli %arg1, %mul3A_3 : i32
    "tpu.region"() ({
      %run_scoped3A = tpu.sem_alloc : memref<!tpu.dma_semaphore, #tpu.memory_space<semaphore_mem>>
      %dma_start3A = arith.constant 0 : i32
      %dma_start3A_15 = tpu.memref_slice %arg2[%mul3A_4, %dma_start3A] : memref<4000x80xi32, #tpu.memory_space<hbm>> -> memref<250x80xi32, #tpu.memory_space<hbm>>
      %dma_start3A_16 = arith.constant 0 : i32
      %dma_start3A_17 = tpu.memref_slice %arg2[%mul3A_4, %dma_start3A_16] : memref<4000x80xi32, #tpu.memory_space<hbm>> -> memref<250x80xi32, #tpu.memory_space<hbm>>
      tpu.enqueue_dma source(%dma_start3A_17 : memref<250x80xi32, #tpu.memory_space<hbm>>) target(%arg8 : memref<250x80xi32, #tpu.memory_space<vmem>>) target_semaphore(%run_scoped3A : memref<!tpu.dma_semaphore, #tpu.memory_space<semaphore_mem>>)
      %dma_wait3A = arith.constant 0 : i32
      %dma_wait3A_18 = tpu.memref_slice %arg2[%mul3A_4, %dma_wait3A] : memref<4000x80xi32, #tpu.memory_space<hbm>> -> memref<250x80xi32, #tpu.memory_space<hbm>>
      %dma_wait3A_19 = arith.constant 0 : i32
      %dma_wait3A_20 = tpu.memref_slice %arg2[%mul3A_4, %dma_wait3A_19] : memref<4000x80xi32, #tpu.memory_space<hbm>> -> memref<250x80xi32, #tpu.memory_space<hbm>>
      tpu.wait_dma2 semaphore(%run_scoped3A : memref<!tpu.dma_semaphore, #tpu.memory_space<semaphore_mem>>) src(%dma_wait3A_20 : memref<250x80xi32, #tpu.memory_space<hbm>>) dst(%arg8 : memref<250x80xi32, #tpu.memory_space<vmem>>)
      tpu.yield
    }) : () -> ()
    "tpu.region"() ({
      %run_scoped3A = tpu.sem_alloc : memref<!tpu.dma_semaphore, #tpu.memory_space<semaphore_mem>>
      %dma_start3A = arith.constant 0 : i32
      %dma_start3A_15 = tpu.memref_slice %arg3[%mul3A_4, %dma_start3A] : memref<4000x80xi32, #tpu.memory_space<hbm>> -> memref<250x80xi32, #tpu.memory_space<hbm>>
      %dma_start3A_16 = arith.constant 0 : i32
      %dma_start3A_17 = tpu.memref_slice %arg3[%mul3A_4, %dma_start3A_16] : memref<4000x80xi32, #tpu.memory_space<hbm>> -> memref<250x80xi32, #tpu.memory_space<hbm>>
      tpu.enqueue_dma source(%dma_start3A_17 : memref<250x80xi32, #tpu.memory_space<hbm>>) target(%arg9 : memref<250x80xi32, #tpu.memory_space<vmem>>) target_semaphore(%run_scoped3A : memref<!tpu.dma_semaphore, #tpu.memory_space<semaphore_mem>>)
      %dma_wait3A = arith.constant 0 : i32
      %dma_wait3A_18 = tpu.memref_slice %arg3[%mul3A_4, %dma_wait3A] : memref<4000x80xi32, #tpu.memory_space<hbm>> -> memref<250x80xi32, #tpu.memory_space<hbm>>
      %dma_wait3A_19 = arith.constant 0 : i32
      %dma_wait3A_20 = tpu.memref_slice %arg3[%mul3A_4, %dma_wait3A_19] : memref<4000x80xi32, #tpu.memory_space<hbm>> -> memref<250x80xi32, #tpu.memory_space<hbm>>
      tpu.wait_dma2 semaphore(%run_scoped3A : memref<!tpu.dma_semaphore, #tpu.memory_space<semaphore_mem>>) src(%dma_wait3A_20 : memref<250x80xi32, #tpu.memory_space<hbm>>) dst(%arg9 : memref<250x80xi32, #tpu.memory_space<vmem>>)
      tpu.yield
    }) : () -> ()
    %barrier3A = arith.constant 0 : index
    tpu.barrier barrier_id(%barrier3A)
    %eq3A = arith.constant 0 : i32
    %eq3A_5 = arith.cmpi eq, %arg0, %eq3A : i32
    %convert_element_type3A = arith.extui %eq3A_5 : i1 to i32
    %cond3A = arith.constant 0 : i32
    %cond3A_6 = arith.cmpi ne, %convert_element_type3A, %cond3A : i32
    scf.if %cond3A_6 {
      %dma_start3A = arith.constant 0 : i32
      %dma_start3A_15 = arith.constant 0 : i32
      %dma_start3A_16 = tpu.memref_slice %arg9[%dma_start3A, %dma_start3A_15] : memref<250x80xi32, #tpu.memory_space<vmem>> -> memref<1x80xi32, #tpu.memory_space<vmem>>
      %dma_start3A_17 = tpu.memref_squeeze %dma_start3A_16 : memref<1x80xi32, #tpu.memory_space<vmem>> -> memref<80xi32, #tpu.memory_space<vmem>>
      %dma_start3A_18 = arith.constant 0 : i32
      %dma_start3A_19 = arith.constant 0 : i32
      %dma_start3A_20 = tpu.memref_slice %arg4[%dma_start3A_18, %dma_start3A_19] : memref<15000x80xf32, #tpu.memory_space<hbm>> -> memref<15000x80xf32, #tpu.memory_space<hbm>>
      tpu.enqueue_indirect_dma source(%dma_start3A_20 : memref<15000x80xf32, #tpu.memory_space<hbm>>) target(%arg10 : memref<80x80xf32, #tpu.memory_space<vmem>>) offsets(%dma_start3A_17 : memref<80xi32, #tpu.memory_space<vmem>>) semaphore(%arg16 : memref<!tpu.dma_semaphore, #tpu.memory_space<semaphore_mem>>)
      %dma_start3A_21 = arith.constant 1 : i32
      %dma_start3A_22 = arith.constant 0 : i32
      %dma_start3A_23 = tpu.memref_slice %arg9[%dma_start3A_21, %dma_start3A_22] : memref<250x80xi32, #tpu.memory_space<vmem>> -> memref<1x80xi32, #tpu.memory_space<vmem>>
      %dma_start3A_24 = tpu.memref_squeeze %dma_start3A_23 : memref<1x80xi32, #tpu.memory_space<vmem>> -> memref<80xi32, #tpu.memory_space<vmem>>
      %dma_start3A_25 = arith.constant 0 : i32
      %dma_start3A_26 = arith.constant 0 : i32
      %dma_start3A_27 = tpu.memref_slice %arg4[%dma_start3A_25, %dma_start3A_26] : memref<15000x80xf32, #tpu.memory_space<hbm>> -> memref<15000x80xf32, #tpu.memory_space<hbm>>
      tpu.enqueue_indirect_dma source(%dma_start3A_27 : memref<15000x80xf32, #tpu.memory_space<hbm>>) target(%arg11 : memref<80x80xf32, #tpu.memory_space<vmem>>) offsets(%dma_start3A_24 : memref<80xi32, #tpu.memory_space<vmem>>) semaphore(%arg17 : memref<!tpu.dma_semaphore, #tpu.memory_space<semaphore_mem>>)
      %dma_start3A_28 = arith.constant 2 : i32
      %dma_start3A_29 = arith.constant 0 : i32
      %dma_start3A_30 = tpu.memref_slice %arg9[%dma_start3A_28, %dma_start3A_29] : memref<250x80xi32, #tpu.memory_space<vmem>> -> memref<1x80xi32, #tpu.memory_space<vmem>>
      %dma_start3A_31 = tpu.memref_squeeze %dma_start3A_30 : memref<1x80xi32, #tpu.memory_space<vmem>> -> memref<80xi32, #tpu.memory_space<vmem>>
      %dma_start3A_32 = arith.constant 0 : i32
      %dma_start3A_33 = arith.constant 0 : i32
      %dma_start3A_34 = tpu.memref_slice %arg4[%dma_start3A_32, %dma_start3A_33] : memref<15000x80xf32, #tpu.memory_space<hbm>> -> memref<15000x80xf32, #tpu.memory_space<hbm>>
      tpu.enqueue_indirect_dma source(%dma_start3A_34 : memref<15000x80xf32, #tpu.memory_space<hbm>>) target(%arg12 : memref<80x80xf32, #tpu.memory_space<vmem>>) offsets(%dma_start3A_31 : memref<80xi32, #tpu.memory_space<vmem>>) semaphore(%arg18 : memref<!tpu.dma_semaphore, #tpu.memory_space<semaphore_mem>>)
      %dma_start3A_35 = arith.constant 3 : i32
      %dma_start3A_36 = arith.constant 0 : i32
      %dma_start3A_37 = tpu.memref_slice %arg9[%dma_start3A_35, %dma_start3A_36] : memref<250x80xi32, #tpu.memory_space<vmem>> -> memref<1x80xi32, #tpu.memory_space<vmem>>
      %dma_start3A_38 = tpu.memref_squeeze %dma_start3A_37 : memref<1x80xi32, #tpu.memory_space<vmem>> -> memref<80xi32, #tpu.memory_space<vmem>>
      %dma_start3A_39 = arith.constant 0 : i32
      %dma_start3A_40 = arith.constant 0 : i32
      %dma_start3A_41 = tpu.memref_slice %arg4[%dma_start3A_39, %dma_start3A_40] : memref<15000x80xf32, #tpu.memory_space<hbm>> -> memref<15000x80xf32, #tpu.memory_space<hbm>>
      tpu.enqueue_indirect_dma source(%dma_start3A_41 : memref<15000x80xf32, #tpu.memory_space<hbm>>) target(%arg13 : memref<80x80xf32, #tpu.memory_space<vmem>>) offsets(%dma_start3A_38 : memref<80xi32, #tpu.memory_space<vmem>>) semaphore(%arg19 : memref<!tpu.dma_semaphore, #tpu.memory_space<semaphore_mem>>)
      %dma_start3A_42 = arith.constant 4 : i32
      %dma_start3A_43 = arith.constant 0 : i32
      %dma_start3A_44 = tpu.memref_slice %arg9[%dma_start3A_42, %dma_start3A_43] : memref<250x80xi32, #tpu.memory_space<vmem>> -> memref<1x80xi32, #tpu.memory_space<vmem>>
      %dma_start3A_45 = tpu.memref_squeeze %dma_start3A_44 : memref<1x80xi32, #tpu.memory_space<vmem>> -> memref<80xi32, #tpu.memory_space<vmem>>
      %dma_start3A_46 = arith.constant 0 : i32
      %dma_start3A_47 = arith.constant 0 : i32
      %dma_start3A_48 = tpu.memref_slice %arg4[%dma_start3A_46, %dma_start3A_47] : memref<15000x80xf32, #tpu.memory_space<hbm>> -> memref<15000x80xf32, #tpu.memory_space<hbm>>
      tpu.enqueue_indirect_dma source(%dma_start3A_48 : memref<15000x80xf32, #tpu.memory_space<hbm>>) target(%arg14 : memref<80x80xf32, #tpu.memory_space<vmem>>) offsets(%dma_start3A_45 : memref<80xi32, #tpu.memory_space<vmem>>) semaphore(%arg20 : memref<!tpu.dma_semaphore, #tpu.memory_space<semaphore_mem>>)
      %scan3A = arith.constant 0 : i32
      %scan3A_49 = arith.constant 0 : i32
      %scan3A_50 = arith.constant 50 : i32
      %scan3A_51 = arith.addi %scan3A_49, %scan3A_50 : i32
      %scan3A_52 = arith.constant 1 : i32
      scf.for %scan3A_54 = %scan3A_49 to %scan3A_51 step %scan3A_52  : i32 {
        %mul3A_55 = arith.constant 5 : i32
        %mul3A_56 = arith.muli %scan3A_54, %mul3A_55 : i32
        %add3A = arith.constant 0 : i32
        %add3A_57 = arith.addi %mul3A_56, %add3A : i32
        %dma_wait3A = arith.constant 0 : i32
        %dma_wait3A_58 = tpu.memref_slice %arg9[%add3A_57, %dma_wait3A] : memref<250x80xi32, #tpu.memory_space<vmem>> -> memref<1x80xi32, #tpu.memory_space<vmem>>
        %dma_wait3A_59 = tpu.memref_squeeze %dma_wait3A_58 : memref<1x80xi32, #tpu.memory_space<vmem>> -> memref<80xi32, #tpu.memory_space<vmem>>
        %dma_wait3A_60 = arith.constant 0 : i32
        %dma_wait3A_61 = arith.constant 0 : i32
        %dma_wait3A_62 = tpu.memref_slice %arg4[%dma_wait3A_60, %dma_wait3A_61] : memref<15000x80xf32, #tpu.memory_space<hbm>> -> memref<15000x80xf32, #tpu.memory_space<hbm>>
        tpu.wait_indirect_dma semaphore(%arg16 : memref<!tpu.dma_semaphore, #tpu.memory_space<semaphore_mem>>) src(%dma_wait3A_62 : memref<15000x80xf32, #tpu.memory_space<hbm>>) dst(%arg10 : memref<80x80xf32, #tpu.memory_space<vmem>>)
        "tpu.region"() ({
          %run_scoped3A = tpu.sem_alloc : memref<!tpu.dma_semaphore, #tpu.memory_space<semaphore_mem>>
          %dma_start3A_137 = arith.constant 0 : i32
          %dma_start3A_138 = tpu.memref_slice %arg8[%add3A_57, %dma_start3A_137] : memref<250x80xi32, #tpu.memory_space<vmem>> -> memref<1x80xi32, #tpu.memory_space<vmem>>
          %dma_start3A_139 = tpu.memref_squeeze %dma_start3A_138 : memref<1x80xi32, #tpu.memory_space<vmem>> -> memref<80xi32, #tpu.memory_space<vmem>>
          %dma_start3A_140 = arith.constant 0 : i32
          %dma_start3A_141 = arith.constant 0 : i32
          %dma_start3A_142 = tpu.memref_slice %arg15[%dma_start3A_140, %dma_start3A_141] : memref<10112x80xf32, #tpu.memory_space<vmem_shared>> -> memref<10112x80xf32, #tpu.memory_space<vmem_shared>>
          tpu.enqueue_indirect_dma source(%arg10 : memref<80x80xf32, #tpu.memory_space<vmem>>) target(%dma_start3A_142 : memref<10112x80xf32, #tpu.memory_space<vmem_shared>>) offsets(%dma_start3A_139 : memref<80xi32, #tpu.memory_space<vmem>>) semaphore(%run_scoped3A : memref<!tpu.dma_semaphore, #tpu.memory_space<semaphore_mem>>) {add = true}
          %dma_wait3A_143 = arith.constant 0 : i32
          %dma_wait3A_144 = tpu.memref_slice %arg8[%add3A_57, %dma_wait3A_143] : memref<250x80xi32, #tpu.memory_space<vmem>> -> memref<1x80xi32, #tpu.memory_space<vmem>>
          %dma_wait3A_145 = tpu.memref_squeeze %dma_wait3A_144 : memref<1x80xi32, #tpu.memory_space<vmem>> -> memref<80xi32, #tpu.memory_space<vmem>>
          %dma_wait3A_146 = arith.constant 0 : i32
          %dma_wait3A_147 = arith.constant 0 : i32
          %dma_wait3A_148 = tpu.memref_slice %arg15[%dma_wait3A_146, %dma_wait3A_147] : memref<10112x80xf32, #tpu.memory_space<vmem_shared>> -> memref<10112x80xf32, #tpu.memory_space<vmem_shared>>
          tpu.wait_indirect_dma semaphore(%run_scoped3A : memref<!tpu.dma_semaphore, #tpu.memory_space<semaphore_mem>>) src(%arg10 : memref<80x80xf32, #tpu.memory_space<vmem>>) dst(%dma_wait3A_148 : memref<10112x80xf32, #tpu.memory_space<vmem_shared>>)
          tpu.yield
        }) : () -> ()
        %add3A_63 = arith.constant 5 : i32
        %add3A_64 = arith.addi %add3A_57, %add3A_63 : i32
        %lt3A = arith.constant 250 : i32
        %lt3A_65 = arith.cmpi slt, %add3A_64, %lt3A : i32
        %convert_element_type3A_66 = arith.extui %lt3A_65 : i1 to i32
        %cond3A_67 = arith.constant 0 : i32
        %cond3A_68 = arith.cmpi ne, %convert_element_type3A_66, %cond3A_67 : i32
        scf.if %cond3A_68 {
          %add3A_137 = arith.constant 5 : i32
          %add3A_138 = arith.addi %add3A_57, %add3A_137 : i32
          %dma_start3A_139 = arith.constant 0 : i32
          %dma_start3A_140 = tpu.memref_slice %arg9[%add3A_138, %dma_start3A_139] : memref<250x80xi32, #tpu.memory_space<vmem>> -> memref<1x80xi32, #tpu.memory_space<vmem>>
          %dma_start3A_141 = tpu.memref_squeeze %dma_start3A_140 : memref<1x80xi32, #tpu.memory_space<vmem>> -> memref<80xi32, #tpu.memory_space<vmem>>
          %dma_start3A_142 = arith.constant 0 : i32
          %dma_start3A_143 = arith.constant 0 : i32
          %dma_start3A_144 = tpu.memref_slice %arg4[%dma_start3A_142, %dma_start3A_143] : memref<15000x80xf32, #tpu.memory_space<hbm>> -> memref<15000x80xf32, #tpu.memory_space<hbm>>
          tpu.enqueue_indirect_dma source(%dma_start3A_144 : memref<15000x80xf32, #tpu.memory_space<hbm>>) target(%arg10 : memref<80x80xf32, #tpu.memory_space<vmem>>) offsets(%dma_start3A_141 : memref<80xi32, #tpu.memory_space<vmem>>) semaphore(%arg16 : memref<!tpu.dma_semaphore, #tpu.memory_space<semaphore_mem>>)
        } else {
        }
        %mul3A_69 = arith.constant 5 : i32
        %mul3A_70 = arith.muli %scan3A_54, %mul3A_69 : i32
        %add3A_71 = arith.constant 1 : i32
        %add3A_72 = arith.addi %mul3A_70, %add3A_71 : i32
        %dma_wait3A_73 = arith.constant 0 : i32
        %dma_wait3A_74 = tpu.memref_slice %arg9[%add3A_72, %dma_wait3A_73] : memref<250x80xi32, #tpu.memory_space<vmem>> -> memref<1x80xi32, #tpu.memory_space<vmem>>
        %dma_wait3A_75 = tpu.memref_squeeze %dma_wait3A_74 : memref<1x80xi32, #tpu.memory_space<vmem>> -> memref<80xi32, #tpu.memory_space<vmem>>
        %dma_wait3A_76 = arith.constant 0 : i32
        %dma_wait3A_77 = arith.constant 0 : i32
        %dma_wait3A_78 = tpu.memref_slice %arg4[%dma_wait3A_76, %dma_wait3A_77] : memref<15000x80xf32, #tpu.memory_space<hbm>> -> memref<15000x80xf32, #tpu.memory_space<hbm>>
        tpu.wait_indirect_dma semaphore(%arg17 : memref<!tpu.dma_semaphore, #tpu.memory_space<semaphore_mem>>) src(%dma_wait3A_78 : memref<15000x80xf32, #tpu.memory_space<hbm>>) dst(%arg11 : memref<80x80xf32, #tpu.memory_space<vmem>>)
        "tpu.region"() ({
          %run_scoped3A = tpu.sem_alloc : memref<!tpu.dma_semaphore, #tpu.memory_space<semaphore_mem>>
          %dma_start3A_137 = arith.constant 0 : i32
          %dma_start3A_138 = tpu.memref_slice %arg8[%add3A_72, %dma_start3A_137] : memref<250x80xi32, #tpu.memory_space<vmem>> -> memref<1x80xi32, #tpu.memory_space<vmem>>
          %dma_start3A_139 = tpu.memref_squeeze %dma_start3A_138 : memref<1x80xi32, #tpu.memory_space<vmem>> -> memref<80xi32, #tpu.memory_space<vmem>>
          %dma_start3A_140 = arith.constant 0 : i32
          %dma_start3A_141 = arith.constant 0 : i32
          %dma_start3A_142 = tpu.memref_slice %arg15[%dma_start3A_140, %dma_start3A_141] : memref<10112x80xf32, #tpu.memory_space<vmem_shared>> -> memref<10112x80xf32, #tpu.memory_space<vmem_shared>>
          tpu.enqueue_indirect_dma source(%arg11 : memref<80x80xf32, #tpu.memory_space<vmem>>) target(%dma_start3A_142 : memref<10112x80xf32, #tpu.memory_space<vmem_shared>>) offsets(%dma_start3A_139 : memref<80xi32, #tpu.memory_space<vmem>>) semaphore(%run_scoped3A : memref<!tpu.dma_semaphore, #tpu.memory_space<semaphore_mem>>) {add = true}
          %dma_wait3A_143 = arith.constant 0 : i32
          %dma_wait3A_144 = tpu.memref_slice %arg8[%add3A_72, %dma_wait3A_143] : memref<250x80xi32, #tpu.memory_space<vmem>> -> memref<1x80xi32, #tpu.memory_space<vmem>>
          %dma_wait3A_145 = tpu.memref_squeeze %dma_wait3A_144 : memref<1x80xi32, #tpu.memory_space<vmem>> -> memref<80xi32, #tpu.memory_space<vmem>>
          %dma_wait3A_146 = arith.constant 0 : i32
          %dma_wait3A_147 = arith.constant 0 : i32
          %dma_wait3A_148 = tpu.memref_slice %arg15[%dma_wait3A_146, %dma_wait3A_147] : memref<10112x80xf32, #tpu.memory_space<vmem_shared>> -> memref<10112x80xf32, #tpu.memory_space<vmem_shared>>
          tpu.wait_indirect_dma semaphore(%run_scoped3A : memref<!tpu.dma_semaphore, #tpu.memory_space<semaphore_mem>>) src(%arg11 : memref<80x80xf32, #tpu.memory_space<vmem>>) dst(%dma_wait3A_148 : memref<10112x80xf32, #tpu.memory_space<vmem_shared>>)
          tpu.yield
        }) : () -> ()
        %add3A_79 = arith.constant 5 : i32
        %add3A_80 = arith.addi %add3A_72, %add3A_79 : i32
        %lt3A_81 = arith.constant 250 : i32
        %lt3A_82 = arith.cmpi slt, %add3A_80, %lt3A_81 : i32
        %convert_element_type3A_83 = arith.extui %lt3A_82 : i1 to i32
        %cond3A_84 = arith.constant 0 : i32
        %cond3A_85 = arith.cmpi ne, %convert_element_type3A_83, %cond3A_84 : i32
        scf.if %cond3A_85 {
          %add3A_137 = arith.constant 5 : i32
          %add3A_138 = arith.addi %add3A_72, %add3A_137 : i32
          %dma_start3A_139 = arith.constant 0 : i32
          %dma_start3A_140 = tpu.memref_slice %arg9[%add3A_138, %dma_start3A_139] : memref<250x80xi32, #tpu.memory_space<vmem>> -> memref<1x80xi32, #tpu.memory_space<vmem>>
          %dma_start3A_141 = tpu.memref_squeeze %dma_start3A_140 : memref<1x80xi32, #tpu.memory_space<vmem>> -> memref<80xi32, #tpu.memory_space<vmem>>
          %dma_start3A_142 = arith.constant 0 : i32
          %dma_start3A_143 = arith.constant 0 : i32
          %dma_start3A_144 = tpu.memref_slice %arg4[%dma_start3A_142, %dma_start3A_143] : memref<15000x80xf32, #tpu.memory_space<hbm>> -> memref<15000x80xf32, #tpu.memory_space<hbm>>
          tpu.enqueue_indirect_dma source(%dma_start3A_144 : memref<15000x80xf32, #tpu.memory_space<hbm>>) target(%arg11 : memref<80x80xf32, #tpu.memory_space<vmem>>) offsets(%dma_start3A_141 : memref<80xi32, #tpu.memory_space<vmem>>) semaphore(%arg17 : memref<!tpu.dma_semaphore, #tpu.memory_space<semaphore_mem>>)
        } else {
        }
        %mul3A_86 = arith.constant 5 : i32
        %mul3A_87 = arith.muli %scan3A_54, %mul3A_86 : i32
        %add3A_88 = arith.constant 2 : i32
        %add3A_89 = arith.addi %mul3A_87, %add3A_88 : i32
        %dma_wait3A_90 = arith.constant 0 : i32
        %dma_wait3A_91 = tpu.memref_slice %arg9[%add3A_89, %dma_wait3A_90] : memref<250x80xi32, #tpu.memory_space<vmem>> -> memref<1x80xi32, #tpu.memory_space<vmem>>
        %dma_wait3A_92 = tpu.memref_squeeze %dma_wait3A_91 : memref<1x80xi32, #tpu.memory_space<vmem>> -> memref<80xi32, #tpu.memory_space<vmem>>
        %dma_wait3A_93 = arith.constant 0 : i32
        %dma_wait3A_94 = arith.constant 0 : i32
        %dma_wait3A_95 = tpu.memref_slice %arg4[%dma_wait3A_93, %dma_wait3A_94] : memref<15000x80xf32, #tpu.memory_space<hbm>> -> memref<15000x80xf32, #tpu.memory_space<hbm>>
        tpu.wait_indirect_dma semaphore(%arg18 : memref<!tpu.dma_semaphore, #tpu.memory_space<semaphore_mem>>) src(%dma_wait3A_95 : memref<15000x80xf32, #tpu.memory_space<hbm>>) dst(%arg12 : memref<80x80xf32, #tpu.memory_space<vmem>>)
        "tpu.region"() ({
          %run_scoped3A = tpu.sem_alloc : memref<!tpu.dma_semaphore, #tpu.memory_space<semaphore_mem>>
          %dma_start3A_137 = arith.constant 0 : i32
          %dma_start3A_138 = tpu.memref_slice %arg8[%add3A_89, %dma_start3A_137] : memref<250x80xi32, #tpu.memory_space<vmem>> -> memref<1x80xi32, #tpu.memory_space<vmem>>
          %dma_start3A_139 = tpu.memref_squeeze %dma_start3A_138 : memref<1x80xi32, #tpu.memory_space<vmem>> -> memref<80xi32, #tpu.memory_space<vmem>>
          %dma_start3A_140 = arith.constant 0 : i32
          %dma_start3A_141 = arith.constant 0 : i32
          %dma_start3A_142 = tpu.memref_slice %arg15[%dma_start3A_140, %dma_start3A_141] : memref<10112x80xf32, #tpu.memory_space<vmem_shared>> -> memref<10112x80xf32, #tpu.memory_space<vmem_shared>>
          tpu.enqueue_indirect_dma source(%arg12 : memref<80x80xf32, #tpu.memory_space<vmem>>) target(%dma_start3A_142 : memref<10112x80xf32, #tpu.memory_space<vmem_shared>>) offsets(%dma_start3A_139 : memref<80xi32, #tpu.memory_space<vmem>>) semaphore(%run_scoped3A : memref<!tpu.dma_semaphore, #tpu.memory_space<semaphore_mem>>) {add = true}
          %dma_wait3A_143 = arith.constant 0 : i32
          %dma_wait3A_144 = tpu.memref_slice %arg8[%add3A_89, %dma_wait3A_143] : memref<250x80xi32, #tpu.memory_space<vmem>> -> memref<1x80xi32, #tpu.memory_space<vmem>>
          %dma_wait3A_145 = tpu.memref_squeeze %dma_wait3A_144 : memref<1x80xi32, #tpu.memory_space<vmem>> -> memref<80xi32, #tpu.memory_space<vmem>>
          %dma_wait3A_146 = arith.constant 0 : i32
          %dma_wait3A_147 = arith.constant 0 : i32
          %dma_wait3A_148 = tpu.memref_slice %arg15[%dma_wait3A_146, %dma_wait3A_147] : memref<10112x80xf32, #tpu.memory_space<vmem_shared>> -> memref<10112x80xf32, #tpu.memory_space<vmem_shared>>
          tpu.wait_indirect_dma semaphore(%run_scoped3A : memref<!tpu.dma_semaphore, #tpu.memory_space<semaphore_mem>>) src(%arg12 : memref<80x80xf32, #tpu.memory_space<vmem>>) dst(%dma_wait3A_148 : memref<10112x80xf32, #tpu.memory_space<vmem_shared>>)
          tpu.yield
        }) : () -> ()
        %add3A_96 = arith.constant 5 : i32
        %add3A_97 = arith.addi %add3A_89, %add3A_96 : i32
        %lt3A_98 = arith.constant 250 : i32
        %lt3A_99 = arith.cmpi slt, %add3A_97, %lt3A_98 : i32
        %convert_element_type3A_100 = arith.extui %lt3A_99 : i1 to i32
        %cond3A_101 = arith.constant 0 : i32
        %cond3A_102 = arith.cmpi ne, %convert_element_type3A_100, %cond3A_101 : i32
        scf.if %cond3A_102 {
          %add3A_137 = arith.constant 5 : i32
          %add3A_138 = arith.addi %add3A_89, %add3A_137 : i32
          %dma_start3A_139 = arith.constant 0 : i32
          %dma_start3A_140 = tpu.memref_slice %arg9[%add3A_138, %dma_start3A_139] : memref<250x80xi32, #tpu.memory_space<vmem>> -> memref<1x80xi32, #tpu.memory_space<vmem>>
          %dma_start3A_141 = tpu.memref_squeeze %dma_start3A_140 : memref<1x80xi32, #tpu.memory_space<vmem>> -> memref<80xi32, #tpu.memory_space<vmem>>
          %dma_start3A_142 = arith.constant 0 : i32
          %dma_start3A_143 = arith.constant 0 : i32
          %dma_start3A_144 = tpu.memref_slice %arg4[%dma_start3A_142, %dma_start3A_143] : memref<15000x80xf32, #tpu.memory_space<hbm>> -> memref<15000x80xf32, #tpu.memory_space<hbm>>
          tpu.enqueue_indirect_dma source(%dma_start3A_144 : memref<15000x80xf32, #tpu.memory_space<hbm>>) target(%arg12 : memref<80x80xf32, #tpu.memory_space<vmem>>) offsets(%dma_start3A_141 : memref<80xi32, #tpu.memory_space<vmem>>) semaphore(%arg18 : memref<!tpu.dma_semaphore, #tpu.memory_space<semaphore_mem>>)
        } else {
        }
        %mul3A_103 = arith.constant 5 : i32
        %mul3A_104 = arith.muli %scan3A_54, %mul3A_103 : i32
        %add3A_105 = arith.constant 3 : i32
        %add3A_106 = arith.addi %mul3A_104, %add3A_105 : i32
        %dma_wait3A_107 = arith.constant 0 : i32
        %dma_wait3A_108 = tpu.memref_slice %arg9[%add3A_106, %dma_wait3A_107] : memref<250x80xi32, #tpu.memory_space<vmem>> -> memref<1x80xi32, #tpu.memory_space<vmem>>
        %dma_wait3A_109 = tpu.memref_squeeze %dma_wait3A_108 : memref<1x80xi32, #tpu.memory_space<vmem>> -> memref<80xi32, #tpu.memory_space<vmem>>
        %dma_wait3A_110 = arith.constant 0 : i32
        %dma_wait3A_111 = arith.constant 0 : i32
        %dma_wait3A_112 = tpu.memref_slice %arg4[%dma_wait3A_110, %dma_wait3A_111] : memref<15000x80xf32, #tpu.memory_space<hbm>> -> memref<15000x80xf32, #tpu.memory_space<hbm>>
        tpu.wait_indirect_dma semaphore(%arg19 : memref<!tpu.dma_semaphore, #tpu.memory_space<semaphore_mem>>) src(%dma_wait3A_112 : memref<15000x80xf32, #tpu.memory_space<hbm>>) dst(%arg13 : memref<80x80xf32, #tpu.memory_space<vmem>>)
        "tpu.region"() ({
          %run_scoped3A = tpu.sem_alloc : memref<!tpu.dma_semaphore, #tpu.memory_space<semaphore_mem>>
          %dma_start3A_137 = arith.constant 0 : i32
          %dma_start3A_138 = tpu.memref_slice %arg8[%add3A_106, %dma_start3A_137] : memref<250x80xi32, #tpu.memory_space<vmem>> -> memref<1x80xi32, #tpu.memory_space<vmem>>
          %dma_start3A_139 = tpu.memref_squeeze %dma_start3A_138 : memref<1x80xi32, #tpu.memory_space<vmem>> -> memref<80xi32, #tpu.memory_space<vmem>>
          %dma_start3A_140 = arith.constant 0 : i32
          %dma_start3A_141 = arith.constant 0 : i32
          %dma_start3A_142 = tpu.memref_slice %arg15[%dma_start3A_140, %dma_start3A_141] : memref<10112x80xf32, #tpu.memory_space<vmem_shared>> -> memref<10112x80xf32, #tpu.memory_space<vmem_shared>>
          tpu.enqueue_indirect_dma source(%arg13 : memref<80x80xf32, #tpu.memory_space<vmem>>) target(%dma_start3A_142 : memref<10112x80xf32, #tpu.memory_space<vmem_shared>>) offsets(%dma_start3A_139 : memref<80xi32, #tpu.memory_space<vmem>>) semaphore(%run_scoped3A : memref<!tpu.dma_semaphore, #tpu.memory_space<semaphore_mem>>) {add = true}
          %dma_wait3A_143 = arith.constant 0 : i32
          %dma_wait3A_144 = tpu.memref_slice %arg8[%add3A_106, %dma_wait3A_143] : memref<250x80xi32, #tpu.memory_space<vmem>> -> memref<1x80xi32, #tpu.memory_space<vmem>>
          %dma_wait3A_145 = tpu.memref_squeeze %dma_wait3A_144 : memref<1x80xi32, #tpu.memory_space<vmem>> -> memref<80xi32, #tpu.memory_space<vmem>>
          %dma_wait3A_146 = arith.constant 0 : i32
          %dma_wait3A_147 = arith.constant 0 : i32
          %dma_wait3A_148 = tpu.memref_slice %arg15[%dma_wait3A_146, %dma_wait3A_147] : memref<10112x80xf32, #tpu.memory_space<vmem_shared>> -> memref<10112x80xf32, #tpu.memory_space<vmem_shared>>
          tpu.wait_indirect_dma semaphore(%run_scoped3A : memref<!tpu.dma_semaphore, #tpu.memory_space<semaphore_mem>>) src(%arg13 : memref<80x80xf32, #tpu.memory_space<vmem>>) dst(%dma_wait3A_148 : memref<10112x80xf32, #tpu.memory_space<vmem_shared>>)
          tpu.yield
        }) : () -> ()
        %add3A_113 = arith.constant 5 : i32
        %add3A_114 = arith.addi %add3A_106, %add3A_113 : i32
        %lt3A_115 = arith.constant 250 : i32
        %lt3A_116 = arith.cmpi slt, %add3A_114, %lt3A_115 : i32
        %convert_element_type3A_117 = arith.extui %lt3A_116 : i1 to i32
        %cond3A_118 = arith.constant 0 : i32
        %cond3A_119 = arith.cmpi ne, %convert_element_type3A_117, %cond3A_118 : i32
        scf.if %cond3A_119 {
          %add3A_137 = arith.constant 5 : i32
          %add3A_138 = arith.addi %add3A_106, %add3A_137 : i32
          %dma_start3A_139 = arith.constant 0 : i32
          %dma_start3A_140 = tpu.memref_slice %arg9[%add3A_138, %dma_start3A_139] : memref<250x80xi32, #tpu.memory_space<vmem>> -> memref<1x80xi32, #tpu.memory_space<vmem>>
          %dma_start3A_141 = tpu.memref_squeeze %dma_start3A_140 : memref<1x80xi32, #tpu.memory_space<vmem>> -> memref<80xi32, #tpu.memory_space<vmem>>
          %dma_start3A_142 = arith.constant 0 : i32
          %dma_start3A_143 = arith.constant 0 : i32
          %dma_start3A_144 = tpu.memref_slice %arg4[%dma_start3A_142, %dma_start3A_143] : memref<15000x80xf32, #tpu.memory_space<hbm>> -> memref<15000x80xf32, #tpu.memory_space<hbm>>
          tpu.enqueue_indirect_dma source(%dma_start3A_144 : memref<15000x80xf32, #tpu.memory_space<hbm>>) target(%arg13 : memref<80x80xf32, #tpu.memory_space<vmem>>) offsets(%dma_start3A_141 : memref<80xi32, #tpu.memory_space<vmem>>) semaphore(%arg19 : memref<!tpu.dma_semaphore, #tpu.memory_space<semaphore_mem>>)
        } else {
        }
        %mul3A_120 = arith.constant 5 : i32
        %mul3A_121 = arith.muli %scan3A_54, %mul3A_120 : i32
        %add3A_122 = arith.constant 4 : i32
        %add3A_123 = arith.addi %mul3A_121, %add3A_122 : i32
        %dma_wait3A_124 = arith.constant 0 : i32
        %dma_wait3A_125 = tpu.memref_slice %arg9[%add3A_123, %dma_wait3A_124] : memref<250x80xi32, #tpu.memory_space<vmem>> -> memref<1x80xi32, #tpu.memory_space<vmem>>
        %dma_wait3A_126 = tpu.memref_squeeze %dma_wait3A_125 : memref<1x80xi32, #tpu.memory_space<vmem>> -> memref<80xi32, #tpu.memory_space<vmem>>
        %dma_wait3A_127 = arith.constant 0 : i32
        %dma_wait3A_128 = arith.constant 0 : i32
        %dma_wait3A_129 = tpu.memref_slice %arg4[%dma_wait3A_127, %dma_wait3A_128] : memref<15000x80xf32, #tpu.memory_space<hbm>> -> memref<15000x80xf32, #tpu.memory_space<hbm>>
        tpu.wait_indirect_dma semaphore(%arg20 : memref<!tpu.dma_semaphore, #tpu.memory_space<semaphore_mem>>) src(%dma_wait3A_129 : memref<15000x80xf32, #tpu.memory_space<hbm>>) dst(%arg14 : memref<80x80xf32, #tpu.memory_space<vmem>>)
        "tpu.region"() ({
          %run_scoped3A = tpu.sem_alloc : memref<!tpu.dma_semaphore, #tpu.memory_space<semaphore_mem>>
          %dma_start3A_137 = arith.constant 0 : i32
          %dma_start3A_138 = tpu.memref_slice %arg8[%add3A_123, %dma_start3A_137] : memref<250x80xi32, #tpu.memory_space<vmem>> -> memref<1x80xi32, #tpu.memory_space<vmem>>
          %dma_start3A_139 = tpu.memref_squeeze %dma_start3A_138 : memref<1x80xi32, #tpu.memory_space<vmem>> -> memref<80xi32, #tpu.memory_space<vmem>>
          %dma_start3A_140 = arith.constant 0 : i32
          %dma_start3A_141 = arith.constant 0 : i32
          %dma_start3A_142 = tpu.memref_slice %arg15[%dma_start3A_140, %dma_start3A_141] : memref<10112x80xf32, #tpu.memory_space<vmem_shared>> -> memref<10112x80xf32, #tpu.memory_space<vmem_shared>>
          tpu.enqueue_indirect_dma source(%arg14 : memref<80x80xf32, #tpu.memory_space<vmem>>) target(%dma_start3A_142 : memref<10112x80xf32, #tpu.memory_space<vmem_shared>>) offsets(%dma_start3A_139 : memref<80xi32, #tpu.memory_space<vmem>>) semaphore(%run_scoped3A : memref<!tpu.dma_semaphore, #tpu.memory_space<semaphore_mem>>) {add = true}
          %dma_wait3A_143 = arith.constant 0 : i32
          %dma_wait3A_144 = tpu.memref_slice %arg8[%add3A_123, %dma_wait3A_143] : memref<250x80xi32, #tpu.memory_space<vmem>> -> memref<1x80xi32, #tpu.memory_space<vmem>>
          %dma_wait3A_145 = tpu.memref_squeeze %dma_wait3A_144 : memref<1x80xi32, #tpu.memory_space<vmem>> -> memref<80xi32, #tpu.memory_space<vmem>>
          %dma_wait3A_146 = arith.constant 0 : i32
          %dma_wait3A_147 = arith.constant 0 : i32
          %dma_wait3A_148 = tpu.memref_slice %arg15[%dma_wait3A_146, %dma_wait3A_147] : memref<10112x80xf32, #tpu.memory_space<vmem_shared>> -> memref<10112x80xf32, #tpu.memory_space<vmem_shared>>
          tpu.wait_indirect_dma semaphore(%run_scoped3A : memref<!tpu.dma_semaphore, #tpu.memory_space<semaphore_mem>>) src(%arg14 : memref<80x80xf32, #tpu.memory_space<vmem>>) dst(%dma_wait3A_148 : memref<10112x80xf32, #tpu.memory_space<vmem_shared>>)
          tpu.yield
        }) : () -> ()
        %add3A_130 = arith.constant 5 : i32
        %add3A_131 = arith.addi %add3A_123, %add3A_130 : i32
        %lt3A_132 = arith.constant 250 : i32
        %lt3A_133 = arith.cmpi slt, %add3A_131, %lt3A_132 : i32
        %convert_element_type3A_134 = arith.extui %lt3A_133 : i1 to i32
        %cond3A_135 = arith.constant 0 : i32
        %cond3A_136 = arith.cmpi ne, %convert_element_type3A_134, %cond3A_135 : i32
        scf.if %cond3A_136 {
          %add3A_137 = arith.constant 5 : i32
          %add3A_138 = arith.addi %add3A_123, %add3A_137 : i32
          %dma_start3A_139 = arith.constant 0 : i32
          %dma_start3A_140 = tpu.memref_slice %arg9[%add3A_138, %dma_start3A_139] : memref<250x80xi32, #tpu.memory_space<vmem>> -> memref<1x80xi32, #tpu.memory_space<vmem>>
          %dma_start3A_141 = tpu.memref_squeeze %dma_start3A_140 : memref<1x80xi32, #tpu.memory_space<vmem>> -> memref<80xi32, #tpu.memory_space<vmem>>
          %dma_start3A_142 = arith.constant 0 : i32
          %dma_start3A_143 = arith.constant 0 : i32
          %dma_start3A_144 = tpu.memref_slice %arg4[%dma_start3A_142, %dma_start3A_143] : memref<15000x80xf32, #tpu.memory_space<hbm>> -> memref<15000x80xf32, #tpu.memory_space<hbm>>
          tpu.enqueue_indirect_dma source(%dma_start3A_144 : memref<15000x80xf32, #tpu.memory_space<hbm>>) target(%arg14 : memref<80x80xf32, #tpu.memory_space<vmem>>) offsets(%dma_start3A_141 : memref<80xi32, #tpu.memory_space<vmem>>) semaphore(%arg20 : memref<!tpu.dma_semaphore, #tpu.memory_space<semaphore_mem>>)
        } else {
        }
      }
      %scan3A_53 = arith.constant 50 : i32
    } else {
    }
    %eq3A_7 = arith.constant 1 : i32
    %eq3A_8 = arith.cmpi eq, %arg0, %eq3A_7 : i32
    %convert_element_type3A_9 = arith.extui %eq3A_8 : i1 to i32
    %cond3A_10 = arith.constant 0 : i32
    %cond3A_11 = arith.cmpi ne, %convert_element_type3A_9, %cond3A_10 : i32
    scf.if %cond3A_11 {
      %dma_start3A = arith.constant 0 : i32
      %dma_start3A_15 = arith.constant 0 : i32
      %dma_start3A_16 = tpu.memref_slice %arg9[%dma_start3A, %dma_start3A_15] : memref<250x80xi32, #tpu.memory_space<vmem>> -> memref<1x80xi32, #tpu.memory_space<vmem>>
      %dma_start3A_17 = tpu.memref_squeeze %dma_start3A_16 : memref<1x80xi32, #tpu.memory_space<vmem>> -> memref<80xi32, #tpu.memory_space<vmem>>
      %dma_start3A_18 = arith.constant 0 : i32
      %dma_start3A_19 = arith.constant 0 : i32
      %dma_start3A_20 = tpu.memref_slice %arg5[%dma_start3A_18, %dma_start3A_19] : memref<15000x80xf32, #tpu.memory_space<hbm>> -> memref<15000x80xf32, #tpu.memory_space<hbm>>
      tpu.enqueue_indirect_dma source(%dma_start3A_20 : memref<15000x80xf32, #tpu.memory_space<hbm>>) target(%arg10 : memref<80x80xf32, #tpu.memory_space<vmem>>) offsets(%dma_start3A_17 : memref<80xi32, #tpu.memory_space<vmem>>) semaphore(%arg16 : memref<!tpu.dma_semaphore, #tpu.memory_space<semaphore_mem>>)
      %dma_start3A_21 = arith.constant 1 : i32
      %dma_start3A_22 = arith.constant 0 : i32
      %dma_start3A_23 = tpu.memref_slice %arg9[%dma_start3A_21, %dma_start3A_22] : memref<250x80xi32, #tpu.memory_space<vmem>> -> memref<1x80xi32, #tpu.memory_space<vmem>>
      %dma_start3A_24 = tpu.memref_squeeze %dma_start3A_23 : memref<1x80xi32, #tpu.memory_space<vmem>> -> memref<80xi32, #tpu.memory_space<vmem>>
      %dma_start3A_25 = arith.constant 0 : i32
      %dma_start3A_26 = arith.constant 0 : i32
      %dma_start3A_27 = tpu.memref_slice %arg5[%dma_start3A_25, %dma_start3A_26] : memref<15000x80xf32, #tpu.memory_space<hbm>> -> memref<15000x80xf32, #tpu.memory_space<hbm>>
      tpu.enqueue_indirect_dma source(%dma_start3A_27 : memref<15000x80xf32, #tpu.memory_space<hbm>>) target(%arg11 : memref<80x80xf32, #tpu.memory_space<vmem>>) offsets(%dma_start3A_24 : memref<80xi32, #tpu.memory_space<vmem>>) semaphore(%arg17 : memref<!tpu.dma_semaphore, #tpu.memory_space<semaphore_mem>>)
      %dma_start3A_28 = arith.constant 2 : i32
      %dma_start3A_29 = arith.constant 0 : i32
      %dma_start3A_30 = tpu.memref_slice %arg9[%dma_start3A_28, %dma_start3A_29] : memref<250x80xi32, #tpu.memory_space<vmem>> -> memref<1x80xi32, #tpu.memory_space<vmem>>
      %dma_start3A_31 = tpu.memref_squeeze %dma_start3A_30 : memref<1x80xi32, #tpu.memory_space<vmem>> -> memref<80xi32, #tpu.memory_space<vmem>>
      %dma_start3A_32 = arith.constant 0 : i32
      %dma_start3A_33 = arith.constant 0 : i32
      %dma_start3A_34 = tpu.memref_slice %arg5[%dma_start3A_32, %dma_start3A_33] : memref<15000x80xf32, #tpu.memory_space<hbm>> -> memref<15000x80xf32, #tpu.memory_space<hbm>>
      tpu.enqueue_indirect_dma source(%dma_start3A_34 : memref<15000x80xf32, #tpu.memory_space<hbm>>) target(%arg12 : memref<80x80xf32, #tpu.memory_space<vmem>>) offsets(%dma_start3A_31 : memref<80xi32, #tpu.memory_space<vmem>>) semaphore(%arg18 : memref<!tpu.dma_semaphore, #tpu.memory_space<semaphore_mem>>)
      %dma_start3A_35 = arith.constant 3 : i32
      %dma_start3A_36 = arith.constant 0 : i32
      %dma_start3A_37 = tpu.memref_slice %arg9[%dma_start3A_35, %dma_start3A_36] : memref<250x80xi32, #tpu.memory_space<vmem>> -> memref<1x80xi32, #tpu.memory_space<vmem>>
      %dma_start3A_38 = tpu.memref_squeeze %dma_start3A_37 : memref<1x80xi32, #tpu.memory_space<vmem>> -> memref<80xi32, #tpu.memory_space<vmem>>
      %dma_start3A_39 = arith.constant 0 : i32
      %dma_start3A_40 = arith.constant 0 : i32
      %dma_start3A_41 = tpu.memref_slice %arg5[%dma_start3A_39, %dma_start3A_40] : memref<15000x80xf32, #tpu.memory_space<hbm>> -> memref<15000x80xf32, #tpu.memory_space<hbm>>
      tpu.enqueue_indirect_dma source(%dma_start3A_41 : memref<15000x80xf32, #tpu.memory_space<hbm>>) target(%arg13 : memref<80x80xf32, #tpu.memory_space<vmem>>) offsets(%dma_start3A_38 : memref<80xi32, #tpu.memory_space<vmem>>) semaphore(%arg19 : memref<!tpu.dma_semaphore, #tpu.memory_space<semaphore_mem>>)
      %dma_start3A_42 = arith.constant 4 : i32
      %dma_start3A_43 = arith.constant 0 : i32
      %dma_start3A_44 = tpu.memref_slice %arg9[%dma_start3A_42, %dma_start3A_43] : memref<250x80xi32, #tpu.memory_space<vmem>> -> memref<1x80xi32, #tpu.memory_space<vmem>>
      %dma_start3A_45 = tpu.memref_squeeze %dma_start3A_44 : memref<1x80xi32, #tpu.memory_space<vmem>> -> memref<80xi32, #tpu.memory_space<vmem>>
      %dma_start3A_46 = arith.constant 0 : i32
      %dma_start3A_47 = arith.constant 0 : i32
      %dma_start3A_48 = tpu.memref_slice %arg5[%dma_start3A_46, %dma_start3A_47] : memref<15000x80xf32, #tpu.memory_space<hbm>> -> memref<15000x80xf32, #tpu.memory_space<hbm>>
      tpu.enqueue_indirect_dma source(%dma_start3A_48 : memref<15000x80xf32, #tpu.memory_space<hbm>>) target(%arg14 : memref<80x80xf32, #tpu.memory_space<vmem>>) offsets(%dma_start3A_45 : memref<80xi32, #tpu.memory_space<vmem>>) semaphore(%arg20 : memref<!tpu.dma_semaphore, #tpu.memory_space<semaphore_mem>>)
      %scan3A = arith.constant 0 : i32
      %scan3A_49 = arith.constant 0 : i32
      %scan3A_50 = arith.constant 50 : i32
      %scan3A_51 = arith.addi %scan3A_49, %scan3A_50 : i32
      %scan3A_52 = arith.constant 1 : i32
      scf.for %scan3A_54 = %scan3A_49 to %scan3A_51 step %scan3A_52  : i32 {
        %mul3A_55 = arith.constant 5 : i32
        %mul3A_56 = arith.muli %scan3A_54, %mul3A_55 : i32
        %add3A = arith.constant 0 : i32
        %add3A_57 = arith.addi %mul3A_56, %add3A : i32
        %dma_wait3A = arith.constant 0 : i32
        %dma_wait3A_58 = tpu.memref_slice %arg9[%add3A_57, %dma_wait3A] : memref<250x80xi32, #tpu.memory_space<vmem>> -> memref<1x80xi32, #tpu.memory_space<vmem>>
        %dma_wait3A_59 = tpu.memref_squeeze %dma_wait3A_58 : memref<1x80xi32, #tpu.memory_space<vmem>> -> memref<80xi32, #tpu.memory_space<vmem>>
        %dma_wait3A_60 = arith.constant 0 : i32
        %dma_wait3A_61 = arith.constant 0 : i32
        %dma_wait3A_62 = tpu.memref_slice %arg5[%dma_wait3A_60, %dma_wait3A_61] : memref<15000x80xf32, #tpu.memory_space<hbm>> -> memref<15000x80xf32, #tpu.memory_space<hbm>>
        tpu.wait_indirect_dma semaphore(%arg16 : memref<!tpu.dma_semaphore, #tpu.memory_space<semaphore_mem>>) src(%dma_wait3A_62 : memref<15000x80xf32, #tpu.memory_space<hbm>>) dst(%arg10 : memref<80x80xf32, #tpu.memory_space<vmem>>)
        "tpu.region"() ({
          %run_scoped3A = tpu.sem_alloc : memref<!tpu.dma_semaphore, #tpu.memory_space<semaphore_mem>>
          %dma_start3A_137 = arith.constant 0 : i32
          %dma_start3A_138 = tpu.memref_slice %arg8[%add3A_57, %dma_start3A_137] : memref<250x80xi32, #tpu.memory_space<vmem>> -> memref<1x80xi32, #tpu.memory_space<vmem>>
          %dma_start3A_139 = tpu.memref_squeeze %dma_start3A_138 : memref<1x80xi32, #tpu.memory_space<vmem>> -> memref<80xi32, #tpu.memory_space<vmem>>
          %dma_start3A_140 = arith.constant 0 : i32
          %dma_start3A_141 = arith.constant 0 : i32
          %dma_start3A_142 = tpu.memref_slice %arg15[%dma_start3A_140, %dma_start3A_141] : memref<10112x80xf32, #tpu.memory_space<vmem_shared>> -> memref<10112x80xf32, #tpu.memory_space<vmem_shared>>
          tpu.enqueue_indirect_dma source(%arg10 : memref<80x80xf32, #tpu.memory_space<vmem>>) target(%dma_start3A_142 : memref<10112x80xf32, #tpu.memory_space<vmem_shared>>) offsets(%dma_start3A_139 : memref<80xi32, #tpu.memory_space<vmem>>) semaphore(%run_scoped3A : memref<!tpu.dma_semaphore, #tpu.memory_space<semaphore_mem>>) {add = true}
          %dma_wait3A_143 = arith.constant 0 : i32
          %dma_wait3A_144 = tpu.memref_slice %arg8[%add3A_57, %dma_wait3A_143] : memref<250x80xi32, #tpu.memory_space<vmem>> -> memref<1x80xi32, #tpu.memory_space<vmem>>
          %dma_wait3A_145 = tpu.memref_squeeze %dma_wait3A_144 : memref<1x80xi32, #tpu.memory_space<vmem>> -> memref<80xi32, #tpu.memory_space<vmem>>
          %dma_wait3A_146 = arith.constant 0 : i32
          %dma_wait3A_147 = arith.constant 0 : i32
          %dma_wait3A_148 = tpu.memref_slice %arg15[%dma_wait3A_146, %dma_wait3A_147] : memref<10112x80xf32, #tpu.memory_space<vmem_shared>> -> memref<10112x80xf32, #tpu.memory_space<vmem_shared>>
          tpu.wait_indirect_dma semaphore(%run_scoped3A : memref<!tpu.dma_semaphore, #tpu.memory_space<semaphore_mem>>) src(%arg10 : memref<80x80xf32, #tpu.memory_space<vmem>>) dst(%dma_wait3A_148 : memref<10112x80xf32, #tpu.memory_space<vmem_shared>>)
          tpu.yield
        }) : () -> ()
        %add3A_63 = arith.constant 5 : i32
        %add3A_64 = arith.addi %add3A_57, %add3A_63 : i32
        %lt3A = arith.constant 250 : i32
        %lt3A_65 = arith.cmpi slt, %add3A_64, %lt3A : i32
        %convert_element_type3A_66 = arith.extui %lt3A_65 : i1 to i32
        %cond3A_67 = arith.constant 0 : i32
        %cond3A_68 = arith.cmpi ne, %convert_element_type3A_66, %cond3A_67 : i32
        scf.if %cond3A_68 {
          %add3A_137 = arith.constant 5 : i32
          %add3A_138 = arith.addi %add3A_57, %add3A_137 : i32
          %dma_start3A_139 = arith.constant 0 : i32
          %dma_start3A_140 = tpu.memref_slice %arg9[%add3A_138, %dma_start3A_139] : memref<250x80xi32, #tpu.memory_space<vmem>> -> memref<1x80xi32, #tpu.memory_space<vmem>>
          %dma_start3A_141 = tpu.memref_squeeze %dma_start3A_140 : memref<1x80xi32, #tpu.memory_space<vmem>> -> memref<80xi32, #tpu.memory_space<vmem>>
          %dma_start3A_142 = arith.constant 0 : i32
          %dma_start3A_143 = arith.constant 0 : i32
          %dma_start3A_144 = tpu.memref_slice %arg5[%dma_start3A_142, %dma_start3A_143] : memref<15000x80xf32, #tpu.memory_space<hbm>> -> memref<15000x80xf32, #tpu.memory_space<hbm>>
          tpu.enqueue_indirect_dma source(%dma_start3A_144 : memref<15000x80xf32, #tpu.memory_space<hbm>>) target(%arg10 : memref<80x80xf32, #tpu.memory_space<vmem>>) offsets(%dma_start3A_141 : memref<80xi32, #tpu.memory_space<vmem>>) semaphore(%arg16 : memref<!tpu.dma_semaphore, #tpu.memory_space<semaphore_mem>>)
        } else {
        }
        %mul3A_69 = arith.constant 5 : i32
        %mul3A_70 = arith.muli %scan3A_54, %mul3A_69 : i32
        %add3A_71 = arith.constant 1 : i32
        %add3A_72 = arith.addi %mul3A_70, %add3A_71 : i32
        %dma_wait3A_73 = arith.constant 0 : i32
        %dma_wait3A_74 = tpu.memref_slice %arg9[%add3A_72, %dma_wait3A_73] : memref<250x80xi32, #tpu.memory_space<vmem>> -> memref<1x80xi32, #tpu.memory_space<vmem>>
        %dma_wait3A_75 = tpu.memref_squeeze %dma_wait3A_74 : memref<1x80xi32, #tpu.memory_space<vmem>> -> memref<80xi32, #tpu.memory_space<vmem>>
        %dma_wait3A_76 = arith.constant 0 : i32
        %dma_wait3A_77 = arith.constant 0 : i32
        %dma_wait3A_78 = tpu.memref_slice %arg5[%dma_wait3A_76, %dma_wait3A_77] : memref<15000x80xf32, #tpu.memory_space<hbm>> -> memref<15000x80xf32, #tpu.memory_space<hbm>>
        tpu.wait_indirect_dma semaphore(%arg17 : memref<!tpu.dma_semaphore, #tpu.memory_space<semaphore_mem>>) src(%dma_wait3A_78 : memref<15000x80xf32, #tpu.memory_space<hbm>>) dst(%arg11 : memref<80x80xf32, #tpu.memory_space<vmem>>)
        "tpu.region"() ({
          %run_scoped3A = tpu.sem_alloc : memref<!tpu.dma_semaphore, #tpu.memory_space<semaphore_mem>>
          %dma_start3A_137 = arith.constant 0 : i32
          %dma_start3A_138 = tpu.memref_slice %arg8[%add3A_72, %dma_start3A_137] : memref<250x80xi32, #tpu.memory_space<vmem>> -> memref<1x80xi32, #tpu.memory_space<vmem>>
          %dma_start3A_139 = tpu.memref_squeeze %dma_start3A_138 : memref<1x80xi32, #tpu.memory_space<vmem>> -> memref<80xi32, #tpu.memory_space<vmem>>
          %dma_start3A_140 = arith.constant 0 : i32
          %dma_start3A_141 = arith.constant 0 : i32
          %dma_start3A_142 = tpu.memref_slice %arg15[%dma_start3A_140, %dma_start3A_141] : memref<10112x80xf32, #tpu.memory_space<vmem_shared>> -> memref<10112x80xf32, #tpu.memory_space<vmem_shared>>
          tpu.enqueue_indirect_dma source(%arg11 : memref<80x80xf32, #tpu.memory_space<vmem>>) target(%dma_start3A_142 : memref<10112x80xf32, #tpu.memory_space<vmem_shared>>) offsets(%dma_start3A_139 : memref<80xi32, #tpu.memory_space<vmem>>) semaphore(%run_scoped3A : memref<!tpu.dma_semaphore, #tpu.memory_space<semaphore_mem>>) {add = true}
          %dma_wait3A_143 = arith.constant 0 : i32
          %dma_wait3A_144 = tpu.memref_slice %arg8[%add3A_72, %dma_wait3A_143] : memref<250x80xi32, #tpu.memory_space<vmem>> -> memref<1x80xi32, #tpu.memory_space<vmem>>
          %dma_wait3A_145 = tpu.memref_squeeze %dma_wait3A_144 : memref<1x80xi32, #tpu.memory_space<vmem>> -> memref<80xi32, #tpu.memory_space<vmem>>
          %dma_wait3A_146 = arith.constant 0 : i32
          %dma_wait3A_147 = arith.constant 0 : i32
          %dma_wait3A_148 = tpu.memref_slice %arg15[%dma_wait3A_146, %dma_wait3A_147] : memref<10112x80xf32, #tpu.memory_space<vmem_shared>> -> memref<10112x80xf32, #tpu.memory_space<vmem_shared>>
          tpu.wait_indirect_dma semaphore(%run_scoped3A : memref<!tpu.dma_semaphore, #tpu.memory_space<semaphore_mem>>) src(%arg11 : memref<80x80xf32, #tpu.memory_space<vmem>>) dst(%dma_wait3A_148 : memref<10112x80xf32, #tpu.memory_space<vmem_shared>>)
          tpu.yield
        }) : () -> ()
        %add3A_79 = arith.constant 5 : i32
        %add3A_80 = arith.addi %add3A_72, %add3A_79 : i32
        %lt3A_81 = arith.constant 250 : i32
        %lt3A_82 = arith.cmpi slt, %add3A_80, %lt3A_81 : i32
        %convert_element_type3A_83 = arith.extui %lt3A_82 : i1 to i32
        %cond3A_84 = arith.constant 0 : i32
        %cond3A_85 = arith.cmpi ne, %convert_element_type3A_83, %cond3A_84 : i32
        scf.if %cond3A_85 {
          %add3A_137 = arith.constant 5 : i32
          %add3A_138 = arith.addi %add3A_72, %add3A_137 : i32
          %dma_start3A_139 = arith.constant 0 : i32
          %dma_start3A_140 = tpu.memref_slice %arg9[%add3A_138, %dma_start3A_139] : memref<250x80xi32, #tpu.memory_space<vmem>> -> memref<1x80xi32, #tpu.memory_space<vmem>>
          %dma_start3A_141 = tpu.memref_squeeze %dma_start3A_140 : memref<1x80xi32, #tpu.memory_space<vmem>> -> memref<80xi32, #tpu.memory_space<vmem>>
          %dma_start3A_142 = arith.constant 0 : i32
          %dma_start3A_143 = arith.constant 0 : i32
          %dma_start3A_144 = tpu.memref_slice %arg5[%dma_start3A_142, %dma_start3A_143] : memref<15000x80xf32, #tpu.memory_space<hbm>> -> memref<15000x80xf32, #tpu.memory_space<hbm>>
          tpu.enqueue_indirect_dma source(%dma_start3A_144 : memref<15000x80xf32, #tpu.memory_space<hbm>>) target(%arg11 : memref<80x80xf32, #tpu.memory_space<vmem>>) offsets(%dma_start3A_141 : memref<80xi32, #tpu.memory_space<vmem>>) semaphore(%arg17 : memref<!tpu.dma_semaphore, #tpu.memory_space<semaphore_mem>>)
        } else {
        }
        %mul3A_86 = arith.constant 5 : i32
        %mul3A_87 = arith.muli %scan3A_54, %mul3A_86 : i32
        %add3A_88 = arith.constant 2 : i32
        %add3A_89 = arith.addi %mul3A_87, %add3A_88 : i32
        %dma_wait3A_90 = arith.constant 0 : i32
        %dma_wait3A_91 = tpu.memref_slice %arg9[%add3A_89, %dma_wait3A_90] : memref<250x80xi32, #tpu.memory_space<vmem>> -> memref<1x80xi32, #tpu.memory_space<vmem>>
        %dma_wait3A_92 = tpu.memref_squeeze %dma_wait3A_91 : memref<1x80xi32, #tpu.memory_space<vmem>> -> memref<80xi32, #tpu.memory_space<vmem>>
        %dma_wait3A_93 = arith.constant 0 : i32
        %dma_wait3A_94 = arith.constant 0 : i32
        %dma_wait3A_95 = tpu.memref_slice %arg5[%dma_wait3A_93, %dma_wait3A_94] : memref<15000x80xf32, #tpu.memory_space<hbm>> -> memref<15000x80xf32, #tpu.memory_space<hbm>>
        tpu.wait_indirect_dma semaphore(%arg18 : memref<!tpu.dma_semaphore, #tpu.memory_space<semaphore_mem>>) src(%dma_wait3A_95 : memref<15000x80xf32, #tpu.memory_space<hbm>>) dst(%arg12 : memref<80x80xf32, #tpu.memory_space<vmem>>)
        "tpu.region"() ({
          %run_scoped3A = tpu.sem_alloc : memref<!tpu.dma_semaphore, #tpu.memory_space<semaphore_mem>>
          %dma_start3A_137 = arith.constant 0 : i32
          %dma_start3A_138 = tpu.memref_slice %arg8[%add3A_89, %dma_start3A_137] : memref<250x80xi32, #tpu.memory_space<vmem>> -> memref<1x80xi32, #tpu.memory_space<vmem>>
          %dma_start3A_139 = tpu.memref_squeeze %dma_start3A_138 : memref<1x80xi32, #tpu.memory_space<vmem>> -> memref<80xi32, #tpu.memory_space<vmem>>
          %dma_start3A_140 = arith.constant 0 : i32
          %dma_start3A_141 = arith.constant 0 : i32
          %dma_start3A_142 = tpu.memref_slice %arg15[%dma_start3A_140, %dma_start3A_141] : memref<10112x80xf32, #tpu.memory_space<vmem_shared>> -> memref<10112x80xf32, #tpu.memory_space<vmem_shared>>
          tpu.enqueue_indirect_dma source(%arg12 : memref<80x80xf32, #tpu.memory_space<vmem>>) target(%dma_start3A_142 : memref<10112x80xf32, #tpu.memory_space<vmem_shared>>) offsets(%dma_start3A_139 : memref<80xi32, #tpu.memory_space<vmem>>) semaphore(%run_scoped3A : memref<!tpu.dma_semaphore, #tpu.memory_space<semaphore_mem>>) {add = true}
          %dma_wait3A_143 = arith.constant 0 : i32
          %dma_wait3A_144 = tpu.memref_slice %arg8[%add3A_89, %dma_wait3A_143] : memref<250x80xi32, #tpu.memory_space<vmem>> -> memref<1x80xi32, #tpu.memory_space<vmem>>
          %dma_wait3A_145 = tpu.memref_squeeze %dma_wait3A_144 : memref<1x80xi32, #tpu.memory_space<vmem>> -> memref<80xi32, #tpu.memory_space<vmem>>
          %dma_wait3A_146 = arith.constant 0 : i32
          %dma_wait3A_147 = arith.constant 0 : i32
          %dma_wait3A_148 = tpu.memref_slice %arg15[%dma_wait3A_146, %dma_wait3A_147] : memref<10112x80xf32, #tpu.memory_space<vmem_shared>> -> memref<10112x80xf32, #tpu.memory_space<vmem_shared>>
          tpu.wait_indirect_dma semaphore(%run_scoped3A : memref<!tpu.dma_semaphore, #tpu.memory_space<semaphore_mem>>) src(%arg12 : memref<80x80xf32, #tpu.memory_space<vmem>>) dst(%dma_wait3A_148 : memref<10112x80xf32, #tpu.memory_space<vmem_shared>>)
          tpu.yield
        }) : () -> ()
        %add3A_96 = arith.constant 5 : i32
        %add3A_97 = arith.addi %add3A_89, %add3A_96 : i32
        %lt3A_98 = arith.constant 250 : i32
        %lt3A_99 = arith.cmpi slt, %add3A_97, %lt3A_98 : i32
        %convert_element_type3A_100 = arith.extui %lt3A_99 : i1 to i32
        %cond3A_101 = arith.constant 0 : i32
        %cond3A_102 = arith.cmpi ne, %convert_element_type3A_100, %cond3A_101 : i32
        scf.if %cond3A_102 {
          %add3A_137 = arith.constant 5 : i32
          %add3A_138 = arith.addi %add3A_89, %add3A_137 : i32
          %dma_start3A_139 = arith.constant 0 : i32
          %dma_start3A_140 = tpu.memref_slice %arg9[%add3A_138, %dma_start3A_139] : memref<250x80xi32, #tpu.memory_space<vmem>> -> memref<1x80xi32, #tpu.memory_space<vmem>>
          %dma_start3A_141 = tpu.memref_squeeze %dma_start3A_140 : memref<1x80xi32, #tpu.memory_space<vmem>> -> memref<80xi32, #tpu.memory_space<vmem>>
          %dma_start3A_142 = arith.constant 0 : i32
          %dma_start3A_143 = arith.constant 0 : i32
          %dma_start3A_144 = tpu.memref_slice %arg5[%dma_start3A_142, %dma_start3A_143] : memref<15000x80xf32, #tpu.memory_space<hbm>> -> memref<15000x80xf32, #tpu.memory_space<hbm>>
          tpu.enqueue_indirect_dma source(%dma_start3A_144 : memref<15000x80xf32, #tpu.memory_space<hbm>>) target(%arg12 : memref<80x80xf32, #tpu.memory_space<vmem>>) offsets(%dma_start3A_141 : memref<80xi32, #tpu.memory_space<vmem>>) semaphore(%arg18 : memref<!tpu.dma_semaphore, #tpu.memory_space<semaphore_mem>>)
        } else {
        }
        %mul3A_103 = arith.constant 5 : i32
        %mul3A_104 = arith.muli %scan3A_54, %mul3A_103 : i32
        %add3A_105 = arith.constant 3 : i32
        %add3A_106 = arith.addi %mul3A_104, %add3A_105 : i32
        %dma_wait3A_107 = arith.constant 0 : i32
        %dma_wait3A_108 = tpu.memref_slice %arg9[%add3A_106, %dma_wait3A_107] : memref<250x80xi32, #tpu.memory_space<vmem>> -> memref<1x80xi32, #tpu.memory_space<vmem>>
        %dma_wait3A_109 = tpu.memref_squeeze %dma_wait3A_108 : memref<1x80xi32, #tpu.memory_space<vmem>> -> memref<80xi32, #tpu.memory_space<vmem>>
        %dma_wait3A_110 = arith.constant 0 : i32
        %dma_wait3A_111 = arith.constant 0 : i32
        %dma_wait3A_112 = tpu.memref_slice %arg5[%dma_wait3A_110, %dma_wait3A_111] : memref<15000x80xf32, #tpu.memory_space<hbm>> -> memref<15000x80xf32, #tpu.memory_space<hbm>>
        tpu.wait_indirect_dma semaphore(%arg19 : memref<!tpu.dma_semaphore, #tpu.memory_space<semaphore_mem>>) src(%dma_wait3A_112 : memref<15000x80xf32, #tpu.memory_space<hbm>>) dst(%arg13 : memref<80x80xf32, #tpu.memory_space<vmem>>)
        "tpu.region"() ({
          %run_scoped3A = tpu.sem_alloc : memref<!tpu.dma_semaphore, #tpu.memory_space<semaphore_mem>>
          %dma_start3A_137 = arith.constant 0 : i32
          %dma_start3A_138 = tpu.memref_slice %arg8[%add3A_106, %dma_start3A_137] : memref<250x80xi32, #tpu.memory_space<vmem>> -> memref<1x80xi32, #tpu.memory_space<vmem>>
          %dma_start3A_139 = tpu.memref_squeeze %dma_start3A_138 : memref<1x80xi32, #tpu.memory_space<vmem>> -> memref<80xi32, #tpu.memory_space<vmem>>
          %dma_start3A_140 = arith.constant 0 : i32
          %dma_start3A_141 = arith.constant 0 : i32
          %dma_start3A_142 = tpu.memref_slice %arg15[%dma_start3A_140, %dma_start3A_141] : memref<10112x80xf32, #tpu.memory_space<vmem_shared>> -> memref<10112x80xf32, #tpu.memory_space<vmem_shared>>
          tpu.enqueue_indirect_dma source(%arg13 : memref<80x80xf32, #tpu.memory_space<vmem>>) target(%dma_start3A_142 : memref<10112x80xf32, #tpu.memory_space<vmem_shared>>) offsets(%dma_start3A_139 : memref<80xi32, #tpu.memory_space<vmem>>) semaphore(%run_scoped3A : memref<!tpu.dma_semaphore, #tpu.memory_space<semaphore_mem>>) {add = true}
          %dma_wait3A_143 = arith.constant 0 : i32
          %dma_wait3A_144 = tpu.memref_slice %arg8[%add3A_106, %dma_wait3A_143] : memref<250x80xi32, #tpu.memory_space<vmem>> -> memref<1x80xi32, #tpu.memory_space<vmem>>
          %dma_wait3A_145 = tpu.memref_squeeze %dma_wait3A_144 : memref<1x80xi32, #tpu.memory_space<vmem>> -> memref<80xi32, #tpu.memory_space<vmem>>
          %dma_wait3A_146 = arith.constant 0 : i32
          %dma_wait3A_147 = arith.constant 0 : i32
          %dma_wait3A_148 = tpu.memref_slice %arg15[%dma_wait3A_146, %dma_wait3A_147] : memref<10112x80xf32, #tpu.memory_space<vmem_shared>> -> memref<10112x80xf32, #tpu.memory_space<vmem_shared>>
          tpu.wait_indirect_dma semaphore(%run_scoped3A : memref<!tpu.dma_semaphore, #tpu.memory_space<semaphore_mem>>) src(%arg13 : memref<80x80xf32, #tpu.memory_space<vmem>>) dst(%dma_wait3A_148 : memref<10112x80xf32, #tpu.memory_space<vmem_shared>>)
          tpu.yield
        }) : () -> ()
        %add3A_113 = arith.constant 5 : i32
        %add3A_114 = arith.addi %add3A_106, %add3A_113 : i32
        %lt3A_115 = arith.constant 250 : i32
        %lt3A_116 = arith.cmpi slt, %add3A_114, %lt3A_115 : i32
        %convert_element_type3A_117 = arith.extui %lt3A_116 : i1 to i32
        %cond3A_118 = arith.constant 0 : i32
        %cond3A_119 = arith.cmpi ne, %convert_element_type3A_117, %cond3A_118 : i32
        scf.if %cond3A_119 {
          %add3A_137 = arith.constant 5 : i32
          %add3A_138 = arith.addi %add3A_106, %add3A_137 : i32
          %dma_start3A_139 = arith.constant 0 : i32
          %dma_start3A_140 = tpu.memref_slice %arg9[%add3A_138, %dma_start3A_139] : memref<250x80xi32, #tpu.memory_space<vmem>> -> memref<1x80xi32, #tpu.memory_space<vmem>>
          %dma_start3A_141 = tpu.memref_squeeze %dma_start3A_140 : memref<1x80xi32, #tpu.memory_space<vmem>> -> memref<80xi32, #tpu.memory_space<vmem>>
          %dma_start3A_142 = arith.constant 0 : i32
          %dma_start3A_143 = arith.constant 0 : i32
          %dma_start3A_144 = tpu.memref_slice %arg5[%dma_start3A_142, %dma_start3A_143] : memref<15000x80xf32, #tpu.memory_space<hbm>> -> memref<15000x80xf32, #tpu.memory_space<hbm>>
          tpu.enqueue_indirect_dma source(%dma_start3A_144 : memref<15000x80xf32, #tpu.memory_space<hbm>>) target(%arg13 : memref<80x80xf32, #tpu.memory_space<vmem>>) offsets(%dma_start3A_141 : memref<80xi32, #tpu.memory_space<vmem>>) semaphore(%arg19 : memref<!tpu.dma_semaphore, #tpu.memory_space<semaphore_mem>>)
        } else {
        }
        %mul3A_120 = arith.constant 5 : i32
        %mul3A_121 = arith.muli %scan3A_54, %mul3A_120 : i32
        %add3A_122 = arith.constant 4 : i32
        %add3A_123 = arith.addi %mul3A_121, %add3A_122 : i32
        %dma_wait3A_124 = arith.constant 0 : i32
        %dma_wait3A_125 = tpu.memref_slice %arg9[%add3A_123, %dma_wait3A_124] : memref<250x80xi32, #tpu.memory_space<vmem>> -> memref<1x80xi32, #tpu.memory_space<vmem>>
        %dma_wait3A_126 = tpu.memref_squeeze %dma_wait3A_125 : memref<1x80xi32, #tpu.memory_space<vmem>> -> memref<80xi32, #tpu.memory_space<vmem>>
        %dma_wait3A_127 = arith.constant 0 : i32
        %dma_wait3A_128 = arith.constant 0 : i32
        %dma_wait3A_129 = tpu.memref_slice %arg5[%dma_wait3A_127, %dma_wait3A_128] : memref<15000x80xf32, #tpu.memory_space<hbm>> -> memref<15000x80xf32, #tpu.memory_space<hbm>>
        tpu.wait_indirect_dma semaphore(%arg20 : memref<!tpu.dma_semaphore, #tpu.memory_space<semaphore_mem>>) src(%dma_wait3A_129 : memref<15000x80xf32, #tpu.memory_space<hbm>>) dst(%arg14 : memref<80x80xf32, #tpu.memory_space<vmem>>)
        "tpu.region"() ({
          %run_scoped3A = tpu.sem_alloc : memref<!tpu.dma_semaphore, #tpu.memory_space<semaphore_mem>>
          %dma_start3A_137 = arith.constant 0 : i32
          %dma_start3A_138 = tpu.memref_slice %arg8[%add3A_123, %dma_start3A_137] : memref<250x80xi32, #tpu.memory_space<vmem>> -> memref<1x80xi32, #tpu.memory_space<vmem>>
          %dma_start3A_139 = tpu.memref_squeeze %dma_start3A_138 : memref<1x80xi32, #tpu.memory_space<vmem>> -> memref<80xi32, #tpu.memory_space<vmem>>
          %dma_start3A_140 = arith.constant 0 : i32
          %dma_start3A_141 = arith.constant 0 : i32
          %dma_start3A_142 = tpu.memref_slice %arg15[%dma_start3A_140, %dma_start3A_141] : memref<10112x80xf32, #tpu.memory_space<vmem_shared>> -> memref<10112x80xf32, #tpu.memory_space<vmem_shared>>
          tpu.enqueue_indirect_dma source(%arg14 : memref<80x80xf32, #tpu.memory_space<vmem>>) target(%dma_start3A_142 : memref<10112x80xf32, #tpu.memory_space<vmem_shared>>) offsets(%dma_start3A_139 : memref<80xi32, #tpu.memory_space<vmem>>) semaphore(%run_scoped3A : memref<!tpu.dma_semaphore, #tpu.memory_space<semaphore_mem>>) {add = true}
          %dma_wait3A_143 = arith.constant 0 : i32
          %dma_wait3A_144 = tpu.memref_slice %arg8[%add3A_123, %dma_wait3A_143] : memref<250x80xi32, #tpu.memory_space<vmem>> -> memref<1x80xi32, #tpu.memory_space<vmem>>
          %dma_wait3A_145 = tpu.memref_squeeze %dma_wait3A_144 : memref<1x80xi32, #tpu.memory_space<vmem>> -> memref<80xi32, #tpu.memory_space<vmem>>
          %dma_wait3A_146 = arith.constant 0 : i32
          %dma_wait3A_147 = arith.constant 0 : i32
          %dma_wait3A_148 = tpu.memref_slice %arg15[%dma_wait3A_146, %dma_wait3A_147] : memref<10112x80xf32, #tpu.memory_space<vmem_shared>> -> memref<10112x80xf32, #tpu.memory_space<vmem_shared>>
          tpu.wait_indirect_dma semaphore(%run_scoped3A : memref<!tpu.dma_semaphore, #tpu.memory_space<semaphore_mem>>) src(%arg14 : memref<80x80xf32, #tpu.memory_space<vmem>>) dst(%dma_wait3A_148 : memref<10112x80xf32, #tpu.memory_space<vmem_shared>>)
          tpu.yield
        }) : () -> ()
        %add3A_130 = arith.constant 5 : i32
        %add3A_131 = arith.addi %add3A_123, %add3A_130 : i32
        %lt3A_132 = arith.constant 250 : i32
        %lt3A_133 = arith.cmpi slt, %add3A_131, %lt3A_132 : i32
        %convert_element_type3A_134 = arith.extui %lt3A_133 : i1 to i32
        %cond3A_135 = arith.constant 0 : i32
        %cond3A_136 = arith.cmpi ne, %convert_element_type3A_134, %cond3A_135 : i32
        scf.if %cond3A_136 {
          %add3A_137 = arith.constant 5 : i32
          %add3A_138 = arith.addi %add3A_123, %add3A_137 : i32
          %dma_start3A_139 = arith.constant 0 : i32
          %dma_start3A_140 = tpu.memref_slice %arg9[%add3A_138, %dma_start3A_139] : memref<250x80xi32, #tpu.memory_space<vmem>> -> memref<1x80xi32, #tpu.memory_space<vmem>>
          %dma_start3A_141 = tpu.memref_squeeze %dma_start3A_140 : memref<1x80xi32, #tpu.memory_space<vmem>> -> memref<80xi32, #tpu.memory_space<vmem>>
          %dma_start3A_142 = arith.constant 0 : i32
          %dma_start3A_143 = arith.constant 0 : i32
          %dma_start3A_144 = tpu.memref_slice %arg5[%dma_start3A_142, %dma_start3A_143] : memref<15000x80xf32, #tpu.memory_space<hbm>> -> memref<15000x80xf32, #tpu.memory_space<hbm>>
          tpu.enqueue_indirect_dma source(%dma_start3A_144 : memref<15000x80xf32, #tpu.memory_space<hbm>>) target(%arg14 : memref<80x80xf32, #tpu.memory_space<vmem>>) offsets(%dma_start3A_141 : memref<80xi32, #tpu.memory_space<vmem>>) semaphore(%arg20 : memref<!tpu.dma_semaphore, #tpu.memory_space<semaphore_mem>>)
        } else {
        }
      }
      %scan3A_53 = arith.constant 50 : i32
    } else {
    }
    %barrier3A_12 = arith.constant 0 : index
    tpu.barrier barrier_id(%barrier3A_12)
    %mul3A_13 = arith.constant 632 : i32
    %mul3A_14 = arith.muli %arg1, %mul3A_13 : i32
    "tpu.region"() ({
      %run_scoped3A = tpu.sem_alloc : memref<!tpu.dma_semaphore, #tpu.memory_space<semaphore_mem>>
      %dma_start3A = arith.constant 0 : i32
      %dma_start3A_15 = tpu.memref_slice %arg7[%arg0, %mul3A_14, %dma_start3A] : memref<2x10112x80xf32, #tpu.memory_space<hbm>> -> memref<1x632x80xf32, #tpu.memory_space<hbm>>
      %dma_start3A_16 = tpu.memref_squeeze %dma_start3A_15 : memref<1x632x80xf32, #tpu.memory_space<hbm>> -> memref<632x80xf32, #tpu.memory_space<hbm>>
      %dma_start3A_17 = arith.constant 0 : i32
      %dma_start3A_18 = tpu.memref_slice %arg15[%mul3A_14, %dma_start3A_17] : memref<10112x80xf32, #tpu.memory_space<vmem_shared>> -> memref<632x80xf32, #tpu.memory_space<vmem_shared>>
      tpu.enqueue_dma source(%dma_start3A_18 : memref<632x80xf32, #tpu.memory_space<vmem_shared>>) target(%dma_start3A_16 : memref<632x80xf32, #tpu.memory_space<hbm>>) target_semaphore(%run_scoped3A : memref<!tpu.dma_semaphore, #tpu.memory_space<semaphore_mem>>)
      %dma_wait3A = arith.constant 0 : i32
      %dma_wait3A_19 = tpu.memref_slice %arg7[%arg0, %mul3A_14, %dma_wait3A] : memref<2x10112x80xf32, #tpu.memory_space<hbm>> -> memref<1x632x80xf32, #tpu.memory_space<hbm>>
      %dma_wait3A_20 = tpu.memref_squeeze %dma_wait3A_19 : memref<1x632x80xf32, #tpu.memory_space<hbm>> -> memref<632x80xf32, #tpu.memory_space<hbm>>
      %dma_wait3A_21 = arith.constant 0 : i32
      %dma_wait3A_22 = tpu.memref_slice %arg15[%mul3A_14, %dma_wait3A_21] : memref<10112x80xf32, #tpu.memory_space<vmem_shared>> -> memref<632x80xf32, #tpu.memory_space<vmem_shared>>
      tpu.wait_dma2 semaphore(%run_scoped3A : memref<!tpu.dma_semaphore, #tpu.memory_space<semaphore_mem>>) src(%dma_wait3A_22 : memref<632x80xf32, #tpu.memory_space<vmem_shared>>) dst(%dma_wait3A_20 : memref<632x80xf32, #tpu.memory_space<hbm>>)
      tpu.yield
    }) : () -> ()
    return
  }
}

</mosaic_0001>

<sc_bundles>
// kernel: _sc_call.3.cloned.1.call-start
scs
__scs_entry_jumppad:
0x0: {  	(pc) =	sbr.rel $0x88, $3  }
0x1: {  	(tag) =	ssettag $0x0;
	lr =	simm.s32 $0x1  }
0x2: {  	[smem:$0x3F9C] =	sst lr;
	_ =	strace $0xD0000000  }
0x3: {  	_ = 	snop  }
0x4: {  	_ = 	snop  }
0x5: {  	_ = 	snop  }
0x6: {  	_ = 	snop  }
0x7: {  	_ = 	snop  }
__scs_overlays_trampoline_lowered:
0x8: {  	[smem:$0x3FAB] =	sst s0  }
0x9: {  	[smem:$0x3FAC] =	sst s1  }
0xa: {  	[smem:$0x3FAD] =	sst s2  }
0xb: {  	[smem:$0x3FAE] =	sst s3  }
0xc: {  	[smem:$0x3FAF] =	sst s4  }
0xd: {  	[smem:$0x3FB0] =	sst s5  }
0xe: {  	[smem:$0x3FB1] =	sst s6  }
0xf: {  	[smem:$0x3FB2] =	sst s7  }
0x10: {  	[smem:$0x3FB3] =	sst s8  }
0x11: {  	[smem:$0x3FB4] =	sst s9;
	s0 =	simm.s32 @!p0 $0x0  }
0x12: {  	s1 =	sld [smem:$0x3F9A];
	s0 =	simm.s32 @p0 $0x1  }
0x13: {  	[smem:$0x3FB5] =	sst s0;
	s0 =	simm.s32 @!p1 $0x0  }
0x14: {  	s2 =	sld [smem:$0x3F99];
	s0 =	simm.s32 @p1 $0x1  }
0x15: {  	[smem:$0x3FB6] =	sst s0;
	s0 =	simm.s32 @!p2 $0x0  }
0x16: {  	s3 =	sld [smem:$0x3FDB];
	s0 =	simm.s32 @p2 $0x1  }
0x17: {  	s4 =	simm.s32 $0x1BF5;
	[smem:$0x3FB8] =	sst s0  }
0x18: {  	s0 =	sld [smem:$0x3F9B];
	_ =	swait.ge [sflag:s4], $0x0  }
0x19: {  	s7 =	sld [smem:$0x3F9C]  }
0x1a: {  	s8 =	sadd.s32 $0xFFFFE003, lr  }
0x1b: {  	s9 =	sadd.s32 $0xFFFFFEF7, lr;
	s5 =	simm.s32 $0xFFFFFFFF;
	p2 =	slt.u32 s8, $0xFFFFF086  }
0x1c: {  	p1 =	slt.u32 s9, $0xF7A;
	s5 =	simm.s32 @!p2 $0x0  }
0x1d: {  	s5 =	simm.s32 @p1 $0x1;
	p0 =	seq.s32 s7, s2  }
0x1e: {  	s7 =	smul.u32 @!p0 $0xF7A, s2;
	p2 =	seq.s32 @!p0 s5, $0x0  }
0x1f: {  	s9 =	smul.u32 $0xF7A, s1;
	s8 =	simm.s32 @!p0 $0x1BF5;
	p2 =	por !p2, p0  }
0x20: {  	[sflag:s8] =	ssyncset.s32 @!p0 $0xFFFFF086;
	s6 =	sadd.s32 @!p0 s3, s7;
	s7 =	simm.s32 @!p0 $0x108  }
0x21: {  	s3 =	sadd.s32 s3, s9;
	s6 =	sadd.s32 @!p0 $0x88, s6;
	s7 =	simm.s32 @p2 $0x1082  }
0x22: {  	[simem:s7], [sflag:s8] =	dma.local @!p0 [hbm:s6], $0xF7A  }
0x23: {  	s9 =	sor.u32 $0xD0000000, s2;
	s6 =	simm.s32 $0x108;
	_ =	swait.ge @!p0 [sflag:s8], $0x0  }
0x24: {  	s3 =	sadd.s32 $0x88, s3;
	s6 =	simm.s32 @!p1 $0x1082;
	[sflag:s4] =	ssyncset.s32 $0xFFFFF086  }
0x25: {  	[simem:s6], [sflag:s4] =	dma.local [hbm:s3], $0xF7A  }
0x26: {  	[smem:$0x3F9C] =	sst s1;
	(tag) =	ssettag s2;
	_ =	strace s9  }
0x27: {  	s1 =	sld [smem:$0x3FAC]  }
0x28: {  	s2 =	sld [smem:$0x3FAD]  }
0x29: {  	s4 =	sld [smem:$0x3FAF]  }
0x2a: {  	p0 =	seq.s32 s5, $0x0;
	s5 =	sld [smem:$0x3FB0]  }
0x2b: {  	s6 =	sld [smem:$0x3FB1]  }
0x2c: {  	s7 =	sld [smem:$0x3FB2]  }
0x2d: {  	s3 =	simm.s32 $0x108;
	s8 =	sld [smem:$0x3FB3]  }
0x2e: {  	s3 =	simm.s32 @!p0 $0x1082;
	s9 =	sld [smem:$0x3FB4]  }
0x2f: {  	lr =	sadd.s32 s0, s3;
	s0 =	sld [smem:$0x3FAB]  }
0x30: {  	s3 =	sld [smem:$0x3FAE]  }
0x31: {  	[smem:$0x3FB7] =	sst s10  }
0x32: {  	s10 =	sld [smem:$0x3FB5];
	_ =	sdelay $0x3  }
0x33: {  	p0 =	seq.s32 s10, $0x1;
	s10 =	sld [smem:$0x3FB7];
	_ =	sdelay $0x3  }
0x34: {  	[smem:$0x3FB7] =	sst s10  }
0x35: {  	s10 =	sld [smem:$0x3FB6];
	_ =	sdelay $0x3  }
0x36: {  	p1 =	seq.s32 s10, $0x1;
	s10 =	sld [smem:$0x3FB7];
	_ =	sdelay $0x3  }
0x37: {  	[smem:$0x3FB7] =	sst s10  }
0x38: {  	s10 =	sld [smem:$0x3FB8]  }
0x39: {  	_ = 	snop;
	(pc) =	sbr.ind lr, $3  }
0x3a: {  	_ = 	snop  }
0x3b: {  	_ = 	snop  }
0x3c: {  	p2 =	seq.s32 s10, $0x1;
	s10 =	sld [smem:$0x3FB7]  }
0x3d: {  	_ =	shalt  }
0x3e: {  	_ =	shalt  }
0x3f: {  	_ =	shalt  }
0x40: {  	_ =	shalt  }
0x41: {  	_ =	shalt  }
0x42: {  	_ =	shalt  }
0x43: {  	_ =	shalt  }
0x44: {  	_ =	shalt  }
0x45: {  	_ =	shalt  }
0x46: {  	_ =	shalt  }
0x47: {  	_ =	shalt  }
0x48: {  	_ =	shalt  }
0x49: {  	_ =	shalt  }
0x4a: {  	_ =	shalt  }
0x4b: {  	_ =	shalt  }
0x4c: {  	_ =	shalt  }
0x4d: {  	_ =	shalt  }
0x4e: {  	_ =	shalt  }
0x4f: {  	_ =	shalt  }
0x50: {  	_ =	shalt  }
0x51: {  	_ =	shalt  }
0x52: {  	_ =	shalt  }
0x53: {  	_ =	shalt  }
0x54: {  	_ =	shalt  }
0x55: {  	_ =	shalt  }
0x56: {  	_ =	shalt  }
0x57: {  	_ =	shalt  }
0x58: {  	_ =	shalt  }
0x59: {  	_ =	shalt  }
0x5a: {  	_ =	shalt  }
0x5b: {  	_ =	shalt  }
0x5c: {  	_ =	shalt  }
0x5d: {  	_ =	shalt  }
0x5e: {  	_ =	shalt  }
0x5f: {  	_ =	shalt  }
0x60: {  	_ =	shalt  }
0x61: {  	_ =	shalt  }
0x62: {  	_ =	shalt  }
0x63: {  	_ =	shalt  }
0x64: {  	_ =	shalt  }
0x65: {  	_ =	shalt  }
0x66: {  	_ =	shalt  }
0x67: {  	_ =	shalt  }
0x68: {  	_ =	shalt  }
0x69: {  	_ =	shalt  }
0x6a: {  	_ =	shalt  }
0x6b: {  	_ =	shalt  }
0x6c: {  	_ =	shalt  }
0x6d: {  	_ =	shalt  }
0x6e: {  	_ =	shalt  }
0x6f: {  	_ =	shalt  }
0x70: {  	_ =	shalt  }
0x71: {  	_ =	shalt  }
0x72: {  	_ =	shalt  }
0x73: {  	_ =	shalt  }
0x74: {  	_ =	shalt  }
0x75: {  	_ =	shalt  }
0x76: {  	_ =	shalt  }
0x77: {  	_ =	shalt  }
0x78: {  	_ =	shalt  }
0x79: {  	_ =	shalt  }
0x7a: {  	_ =	shalt  }
0x7b: {  	_ =	shalt  }
0x7c: {  	_ =	shalt  }
0x7d: {  	_ =	shalt  }
0x7e: {  	_ =	shalt  }
0x7f: {  	_ =	shalt  }
0x80: {  	_ =	shalt  }
0x81: {  	_ =	shalt  }
0x82: {  	_ =	shalt  }
0x83: {  	_ =	shalt  }
0x84: {  	_ =	shalt  }
0x85: {  	_ =	shalt  }
0x86: {  	_ =	shalt  }
0x87: {  	_ =	shalt  }
.Lfunc_end0:
.L_simem_size_0:
called_computation_lowered:
.L_overlay_start_0:
0x88: {  	s2 =	sld [smem:$0x3FD9]  }
0x89: {  	s3 =	sld [smem:$0x3FFE];
	_ =	sdelay $0x1  }
0x8a: {  	s1 =	srdreg.scid  }
0x8b: {  	s0 =	sand.u32 $0x1, s1  }
0x8c: {  	s17 =	sshll.u32 s0, $0xA;
	s2 =	sadd.s32 s3, s2  }
0x8d: {  	s2 =	sadd.s32 s2, s17  }
0x8e: {  	[smem:$0x3FC3] =	sst s2  }
0x8f: {  	_ = 	snop  }
0x90: {  	s2 =	sld [smem:$0x3FD0];
	(tm) =	ssettm $0x1  }
0x91: {  	s18 =	sld [smem:$0x3FFB];
	_ =	sdelay $0x3  }
0x92: {  	_ =	strace s18  }
0x93: {  	s3 =	sld [smem:$0x3FFC];
	_ =	sdelay $0x3  }
0x94: {  	_ =	strace s3  }
0x95: {  	s3 =	sld [smem:$0x3FFD];
	_ =	sdelay $0x3  }
0x96: {  	_ =	strace s3  }
0x97: {  	_ =	strace $0x8FFFFFFF  }
0x98: {  	s19 =	sld [smem:$0x3FDB];
	_ =	sdelay $0x1  }
0x99: {  	s4 =	simm.s32 $_scs_section_size  }
0x9a: {  	s5 =	simm.s32 $_size__tile_overlayer_lowered;
	s6 =	simm.s32 $_tile_overlayer_lowered  }
0x9b: {  	s22 =	simm.s32 $0x1BFF;
	s21 =	sshll.u32 s6, $0x1;
	s3 =	sadd.s32 s4, s19  }
0x9c: {  	s7 =	simm.s32 $0x0;
	s20 =	sshll.u32 s5, $0x1;
	s5 =	sadd.s32 s21, s3  }
0x9d: {  	[timem:s7], [sflag:s22] =	dma.local [hbm:s5], s20  }
0x9e: {  	_ =	swait.ge [sflag:s22], s20  }
0x9f: {  	s4 =	ssub.s32 $0x0, s20;
	[sflag:s22] =	ssyncset.done $0x0  }
0xa0: {  	[sflag:s22] =	ssyncadd.s32 s4;
	_ =	sdelay $0x1  }
0xa1: {  	s23 =	simm.s32 $0x1B8B  }
0xa2: {  	_ =	swait.ge [sflag:s23], $0x1  }
0xa3: {  	[sflag:s23] =	ssyncset.done $0x0  }
0xa4: {  	s25 =	simm.s32 $0x1B8E;
	s24 =	sld [smem:$0x3FFE];
	[sflag:s23] =	ssyncadd.s32 $0xFFFFFFFF  }
0xa5: {  	s26 =	simm.s32 $execute0_lowered;
	[smem:$0x3FD2] =	sst s25  }
0xa6: {  	s5 =	sshll.u32 s26, $0x1;
	_ =	strace $0x80000046;
	[dreg:$0x1] =	wrdreg $0xFFFFFFFF  }
0xa7: {  	s28 =	simm.s32 $_size_execute0_lowered;
	s3 =	sadd.s32 s3, s5;
	[dreg:$0x0] =	wrdreg $0x0  }
0xa8: {  	s5 =	sshll.u32 s28, $0x1;
	[dreg:$0x2] =	wrdreg s3  }
0xa9: {  	[dreg:$0x3] =	wrdreg s5  }
0xaa: {  	[dreg:$0x4] =	wrdreg $0xC0  }
0xab: {  	_ =	task [dreg:s7], $0x5FFFF  }
0xac: {  	[dreg:$0x1] =	wrdreg $0xFFFFFFFF  }
0xad: {  	[dreg:$0x0] =	wrdreg $0x60  }
0xae: {  	[dreg:$0x2] =	wrdreg s24  }
0xaf: {  	[dreg:$0x3] =	wrdreg s2  }
0xb0: {  	[dreg:$0x4] =	wrdreg $0x119400  }
0xb1: {  	[dreg:$0x5] =	wrdreg $0x9  }
0xb2: {  	_ =	task.clear_ibuf [dreg:s7], $0x6FFFF;
	_ =	strace $0x90000046  }
0xb3: {  	s29 =	simm.s32 $0x9;
	_ =	strace $0x80000048  }
0xb4: {  	_ =	swait.ge [sflag:s29], $0x1  }
0xb5: {  	[sflag:s29] =	ssyncadd.s32 $0xFFFFFFFF  }
0xb6: {  	_ =	strace $0x90000048  }
0xb7: {  	_ =	sfence  }
0xb8: {  	s30 =	sld [smem:$0x0];
	_ =	sdelay $0x2  }
0xb9: {  	s31 =	sshll.u32 s1, $0xD;
	s1 =	sshrl.u32 s1, $0x2  }
0xba: {  	s3 =	sand.u32 $0x4000, s31;
	s1 =	sadd.s32 s1, s30  }
0xbb: {  	s0 =	sor.u32 s3, s0;
	s1 =	sshll.u32 s1, $0x11  }
0xbc: {  	s0 =	sor.u32 s1, s0  }
0xbd: {  	s0 =	sadd.s32 $0x8F2B, s0  }
0xbe: {  	[sflag:s0] =	ssyncadd.remote.s32 $0x1  }
0xbf: {  	_ =	sfence.sel $0xFFFF  }
0xc0: {  	[dreg:$0x0] =	wrdreg $0xFFFFFFFF;
	(pc) =	sbr.abs _section_cstart, $3  }
0xc1: {  	[dreg:$0x1] =	wrdreg $0xFFFFFFFF  }
0xc2: {  	_ =	task.clear_ibuf [dreg:s7], $0x2FFFF;
	_ =	strace $0x9FFFFFFF  }
0xc3: {  	(tm) =	ssettm $0x7FFFFFFF  }
tec
execute0_lowered:
.L_overlay_start_1:
0x0: {  	(tag) =	ssettag $0x1  }
0x1: {  	s0 =	rddreg [dreg:$0x0]  }
0x2: {  	s1 =	rddreg [dreg:$0x1]  }
0x3: {  	s2 =	rddreg [dreg:$0x2];
	s3 =	simm.s32 $0x0;
	s14 =	stileid.u32  }
0x4: {  	s5 =	srdreg.scid;
	s15 =	simm.s32 $0x50;
	s16 =	simm.s32 $0x9C40  }
0x5: {  	s18 =	simm.s32 $0xB540;
	s20 =	simm.s32 $0xCE40;
	s22 =	simm.s32 $0xE740  }
0x6: {  	s24 =	simm.s32 $0x10040;
	s28 =	simm.s32 $0x3;
	s29 =	simm.s32 $0x4  }
0x7: {  	s30 =	simm.s32 $0x5;
	s17 =	simm.s32 $0x4D80;
	s19 =	simm.s32 $0x4DD0  }
0x8: {  	s21 =	simm.s32 $0x0;
	[smem:$0x7FF] =	sst s3;
	s4 =	smul.u32 $0x9C4, s14  }
0x9: {  	s8 =	smul.u32 $0xC580, s14;
	s10 =	sand.u32 $0x1, s5;
	s5 =	sadd.s32 $0xC00, s0  }
0xa: {  	s26 =	sshll.u32 s14, $0x6;
	s14 =	simm.s32 $0x4E20;
	_ =	strace $0x80000047  }
0xb: {  	s7 =	ssub.s32 $0x2, s10;
	s11 =	smul.u32 $0xC5800, s10;
	p0 =	seq.s32 s10, $0x1  }
0xc: {  	s9 =	sadd.s32 s4, s0;
	s4 =	sadd.s32 $0x25600, s0;
	s6 =	sshrl.u32 s8, $0x3  }
0xd: {  	s25 =	sshrl.u32 s7, $0x1;
	s13 =	sadd.s32 s8, s2;
	s0 =	sadd.s32 s6, s0  }
.Ltmp0:
0xe: {  	s12 =	ssub.s32 s7, s25;
	s7 =	sor.u32 $0x1C06, s26;
	(pc) =	sbr.rel .LBB2_1-.Ltmp0, $4  }
0xf: {  	s31 =	sadd.s32 s8, s11;
	s8 =	sadd.s32 $0x6CA00, s9;
	s9 =	sadd.s32 $0x62C00, s9  }
0x10: {  	s25 =	simm.s32 $0x1;
	s26 =	simm.s32 $0x2;
	s6 =	sadd.s32 $0x4A000, s0  }
0x11: {  	s0 =	sshrl.u32 s31, $0x3;
	s11 =	smax.u32 s12, $0x1;
	s12 =	sshrl.u32 s13, $0x3  }
0x12: {  	s13 =	simm.s32 $0x6;
	s10 =	sadd.s32 s1, s0;
	s1 =	simm.s32 $0x4D30  }
.LBB2_7:
0x13: {  	[tilespmem:s24], [sflag:$0x5] =	stream.indirect.gather [hbm4b:s5+s15], $0x50, s31, s15, $0xb8;
	[tilespmem:$0x1DEC0] =	vst v63  }
.LBB2_8:
0x14: {  	_ =	swait.ge [sflag:s25], $0x1900  }
0x15: {  	[sflag:s25] =	ssyncset.done $0x0  }
0x16: {  	s0 =	simm.s32 $0x4C90;
	[sflag:s25] =	ssyncadd.s32 $0xFFFFE700  }
0x17: {  	[spmem:s2] =	stream.indirect.scatter.add.f32 [tilespmem:s16], [sflag:$0x6], $0x50, s0, s15, $0xb8;
	[tilespmem:$0x1DEC0] =	vst v63  }
0x18: {  	_ =	swait.ge [sflag:s13], $0x1900  }
0x19: {  	[sflag:s13] =	ssyncset.done $0x0  }
0x1a: {  	[sflag:s13] =	ssyncadd.s32 $0xFFFFE700  }
0x1b: {  	_ =	swait.ge [sflag:s26], $0x1900  }
0x1c: {  	[sflag:s26] =	ssyncset.done $0x0  }
0x1d: {  	s31 =	simm.s32 $0x4CE0;
	[sflag:s26] =	ssyncadd.s32 $0xFFFFE700  }
0x1e: {  	[spmem:s2] =	stream.indirect.scatter.add.f32 [tilespmem:s18], [sflag:$0x6], $0x50, s31, s15, $0xb8;
	[tilespmem:$0x1DEC0] =	vst v63  }
0x1f: {  	_ =	swait.ge [sflag:s13], $0x1900  }
0x20: {  	[sflag:s13] =	ssyncset.done $0x0  }
0x21: {  	[sflag:s13] =	ssyncadd.s32 $0xFFFFE700  }
0x22: {  	_ =	swait.ge [sflag:s28], $0x1900  }
0x23: {  	[sflag:s28] =	ssyncset.done $0x0  }
0x24: {  	[sflag:s28] =	ssyncadd.s32 $0xFFFFE700  }
0x25: {  	[spmem:s2] =	stream.indirect.scatter.add.f32 [tilespmem:s20], [sflag:$0x6], $0x50, s1, s15, $0xb8;
	[tilespmem:$0x1DEC0] =	vst v63  }
0x26: {  	_ =	swait.ge [sflag:s13], $0x1900  }
0x27: {  	[sflag:s13] =	ssyncset.done $0x0  }
0x28: {  	[sflag:s13] =	ssyncadd.s32 $0xFFFFE700  }
0x29: {  	_ =	swait.ge [sflag:s29], $0x1900  }
0x2a: {  	[sflag:s29] =	ssyncset.done $0x0  }
0x2b: {  	[sflag:s29] =	ssyncadd.s32 $0xFFFFE700  }
0x2c: {  	[spmem:s2] =	stream.indirect.scatter.add.f32 [tilespmem:s22], [sflag:$0x6], $0x50, s17, s15, $0xb8;
	[tilespmem:$0x1DEC0] =	vst v63  }
0x2d: {  	_ =	swait.ge [sflag:s13], $0x1900  }
0x2e: {  	[sflag:s13] =	ssyncset.done $0x0  }
0x2f: {  	[sflag:s13] =	ssyncadd.s32 $0xFFFFE700  }
0x30: {  	_ =	swait.ge [sflag:s30], $0x1900  }
0x31: {  	[sflag:s30] =	ssyncset.done $0x0  }
0x32: {  	[sflag:s30] =	ssyncadd.s32 $0xFFFFE700  }
0x33: {  	[spmem:s2] =	stream.indirect.scatter.add.f32 [tilespmem:s24], [sflag:$0x6], $0x50, s19, s15, $0xb8;
	[tilespmem:$0x1DEC0] =	vst v63  }
0x34: {  	_ =	swait.ge [sflag:s13], $0x1900  }
0x35: {  	s21 =	sadd.s32 $0x1, s21;
	[sflag:s13] =	ssyncset.done $0x0  }
0x36: {  	p1 =	sne.s32 s21, s11;
	[sflag:s13] =	ssyncadd.s32 $0xFFFFE700  }
.Ltmp1:
0x37: {  	[bflag:$0x0] =	sbarrier.arrive $0xFFFF;
	(pc) =	sbr.rel @!p1 .LBB2_9-.Ltmp1, $4  }
0x38: {  	[hbm:s10], [sflag:s7] =	dma.local [spmem:s12], $0x18B0  }
0x39: {  	_ =	swait.ge [sflag:s13], $0x18B0  }
0x3a: {  	[sflag:s13] =	ssyncset.done $0x0  }
0x3b: {  	[sflag:s13] =	ssyncadd.s32 $0xFFFFE750  }
.LBB2_1:
0x3c: {  	[spmem:s12], [sflag:s7] =	dma.local [hbm:s6], $0x18B0  }
0x3d: {  	_ =	swait.ge [sflag:s13], $0x18B0  }
0x3e: {  	[sflag:s13] =	ssyncset.done $0x0  }
0x3f: {  	[sflag:s13] =	ssyncadd.s32 $0xFFFFE750  }
0x40: {  	[tilespmem:s3], [sflag:$0x6] =	stream.linear.gather [hbm4b:s8+s3], $0x4E20, $0x38;
	[tilespmem:$0x1DEC0] =	vst v63  }
0x41: {  	_ =	swait.ge [sflag:s13], $0x4E20  }
0x42: {  	[sflag:s13] =	ssyncset.done $0x0  }
0x43: {  	[sflag:s13] =	ssyncadd.s32 $0xFFFFB1E0  }
0x44: {  	[tilespmem:s14], [sflag:$0x6] =	stream.linear.gather [hbm4b:s9+s3], $0x4E20, $0x38;
	[tilespmem:$0x1DEC0] =	vst v63  }
.Ltmp2:
0x45: {  	_ =	swait.ge [sflag:s13], $0x4E20;
	(pc) =	sbr.rel @!p0 .LBB2_2-.Ltmp2, $3  }
0x46: {  	[sflag:s13] =	ssyncset.done $0x0  }
0x47: {  	[sflag:s13] =	ssyncadd.s32 $0xFFFFB1E0  }
0x48: {  	[bflag:$0x0] =	sbarrier.arrive $0xFFFF;
	_ =	sdelay $0x1  }
0x49: {  	[tilespmem:s16], [sflag:$0x1] =	stream.indirect.gather [hbm4b:s5+s15], $0x50, s14, s15, $0xb8;
	[tilespmem:$0x1DEC0] =	vst v63  }
0x4a: {  	s0 =	simm.s32 $0x4E70  }
0x4b: {  	[tilespmem:s18], [sflag:$0x2] =	stream.indirect.gather [hbm4b:s5+s15], $0x50, s0, s15, $0xb8;
	[tilespmem:$0x1DEC0] =	vst v63  }
0x4c: {  	s23 =	simm.s32 $0x4EC0  }
0x4d: {  	[tilespmem:s20], [sflag:$0x3] =	stream.indirect.gather [hbm4b:s5+s15], $0x50, s23, s15, $0xb8;
	[tilespmem:$0x1DEC0] =	vst v63  }
0x4e: {  	s23 =	simm.s32 $0x4F10  }
0x4f: {  	[tilespmem:s22], [sflag:$0x4] =	stream.indirect.gather [hbm4b:s5+s15], $0x50, s23, s15, $0xb8;
	[tilespmem:$0x1DEC0] =	vst v63  }
0x50: {  	s23 =	simm.s32 $0x4F60  }
0x51: {  	[tilespmem:s24], [sflag:$0x5] =	stream.indirect.gather [hbm4b:s5+s15], $0x50, s23, s15, $0xb8;
	[tilespmem:$0x1DEC0] =	vst v63  }
0x52: {  	_ =	swait.ge [sflag:s25], $0x1900  }
0x53: {  	[sflag:s25] =	ssyncset.done $0x0  }
0x54: {  	s23 =	simm.s32 $0x0;
	[sflag:s25] =	ssyncadd.s32 $0xFFFFE700  }
0x55: {  	[spmem:s2] =	stream.indirect.scatter.add.f32 [tilespmem:s16], [sflag:$0x6], $0x50, s23, s15, $0xb8;
	[tilespmem:$0x1DEC0] =	vst v63  }
0x56: {  	_ =	swait.ge [sflag:s13], $0x1900  }
0x57: {  	[sflag:s13] =	ssyncset.done $0x0  }
0x58: {  	s23 =	simm.s32 $0x4FB0;
	[sflag:s13] =	ssyncadd.s32 $0xFFFFE700  }
0x59: {  	[tilespmem:s16], [sflag:$0x1] =	stream.indirect.gather [hbm4b:s5+s15], $0x50, s23, s15, $0xb8;
	[tilespmem:$0x1DEC0] =	vst v63  }
0x5a: {  	_ =	swait.ge [sflag:s26], $0x1900  }
0x5b: {  	[sflag:s26] =	ssyncset.done $0x0  }
0x5c: {  	s23 =	simm.s32 $0x50;
	[sflag:s26] =	ssyncadd.s32 $0xFFFFE700  }
0x5d: {  	[spmem:s2] =	stream.indirect.scatter.add.f32 [tilespmem:s18], [sflag:$0x6], $0x50, s23, s15, $0xb8;
	[tilespmem:$0x1DEC0] =	vst v63  }
0x5e: {  	_ =	swait.ge [sflag:s13], $0x1900  }
0x5f: {  	[sflag:s13] =	ssyncset.done $0x0  }
0x60: {  	s23 =	simm.s32 $0x5000;
	[sflag:s13] =	ssyncadd.s32 $0xFFFFE700  }
0x61: {  	[tilespmem:s18], [sflag:$0x2] =	stream.indirect.gather [hbm4b:s5+s15], $0x50, s23, s15, $0xb8;
	[tilespmem:$0x1DEC0] =	vst v63  }
0x62: {  	_ =	swait.ge [sflag:s28], $0x1900  }
0x63: {  	[sflag:s28] =	ssyncset.done $0x0  }
0x64: {  	s23 =	simm.s32 $0xA0;
	[sflag:s28] =	ssyncadd.s32 $0xFFFFE700  }
0x65: {  	[spmem:s2] =	stream.indirect.scatter.add.f32 [tilespmem:s20], [sflag:$0x6], $0x50, s23, s15, $0xb8;
	[tilespmem:$0x1DEC0] =	vst v63  }
0x66: {  	_ =	swait.ge [sflag:s13], $0x1900  }
0x67: {  	[sflag:s13] =	ssyncset.done $0x0  }
0x68: {  	s23 =	simm.s32 $0x5050;
	[sflag:s13] =	ssyncadd.s32 $0xFFFFE700  }
0x69: {  	[tilespmem:s20], [sflag:$0x3] =	stream.indirect.gather [hbm4b:s5+s15], $0x50, s23, s15, $0xb8;
	[tilespmem:$0x1DEC0] =	vst v63  }
0x6a: {  	_ =	swait.ge [sflag:s29], $0x1900  }
0x6b: {  	[sflag:s29] =	ssyncset.done $0x0  }
0x6c: {  	s23 =	simm.s32 $0xF0;
	[sflag:s29] =	ssyncadd.s32 $0xFFFFE700  }
0x6d: {  	[spmem:s2] =	stream.indirect.scatter.add.f32 [tilespmem:s22], [sflag:$0x6], $0x50, s23, s15, $0xb8;
	[tilespmem:$0x1DEC0] =	vst v63  }
0x6e: {  	_ =	swait.ge [sflag:s13], $0x1900  }
0x6f: {  	[sflag:s13] =	ssyncset.done $0x0  }
0x70: {  	s23 =	simm.s32 $0x50A0;
	[sflag:s13] =	ssyncadd.s32 $0xFFFFE700  }
0x71: {  	[tilespmem:s22], [sflag:$0x4] =	stream.indirect.gather [hbm4b:s5+s15], $0x50, s23, s15, $0xb8;
	[tilespmem:$0x1DEC0] =	vst v63  }
0x72: {  	_ =	swait.ge [sflag:s30], $0x1900  }
0x73: {  	[sflag:s30] =	ssyncset.done $0x0  }
0x74: {  	s23 =	simm.s32 $0x140;
	[sflag:s30] =	ssyncadd.s32 $0xFFFFE700  }
0x75: {  	[spmem:s2] =	stream.indirect.scatter.add.f32 [tilespmem:s24], [sflag:$0x6], $0x50, s23, s15, $0xb8;
	[tilespmem:$0x1DEC0] =	vst v63  }
0x76: {  	_ =	swait.ge [sflag:s13], $0x1900  }
0x77: {  	[sflag:s13] =	ssyncset.done $0x0  }
0x78: {  	s31 =	simm.s32 $0x50F0;
	s23 =	simm.s32 $0x640;
	[sflag:s13] =	ssyncadd.s32 $0xFFFFE700  }
.LBB2_6:
0x79: {  	[tilespmem:s24], [sflag:$0x5] =	stream.indirect.gather [hbm4b:s5+s15], $0x50, s31, s15, $0xb8;
	[tilespmem:$0x1DEC0] =	vst v63  }
0x7a: {  	s0 =	smov.u32 s23  }
0x7b: {  	p1 =	sne.s32 s23, $0x12C00;
	s23 =	sadd.s32 $0x640, s23;
	_ =	swait.ge [sflag:s25], $0x1900  }
0x7c: {  	[sflag:s25] =	ssyncset.done $0x0  }
0x7d: {  	s31 =	sshra.s32 s0, $0x2;
	[sflag:s25] =	ssyncadd.s32 $0xFFFFE700  }
0x7e: {  	[spmem:s2] =	stream.indirect.scatter.add.f32 [tilespmem:s16], [sflag:$0x6], $0x50, s31, s15, $0xb8;
	[tilespmem:$0x1DEC0] =	vst v63  }
0x7f: {  	_ =	swait.ge [sflag:s13], $0x1900  }
0x80: {  	[sflag:s13] =	ssyncset.done $0x0  }
0x81: {  	s0 =	sadd.s32 $0x4FB0, s31;
	[sflag:s13] =	ssyncadd.s32 $0xFFFFE700  }
0x82: {  	[tilespmem:s16], [sflag:$0x1] =	stream.indirect.gather [hbm4b:s5+s15], $0x50, s0, s15, $0xb8;
	[tilespmem:$0x1DEC0] =	vst v63  }
0x83: {  	_ =	swait.ge [sflag:s26], $0x1900  }
0x84: {  	[sflag:s26] =	ssyncset.done $0x0  }
0x85: {  	s0 =	sadd.s32 $0x50, s31;
	[sflag:s26] =	ssyncadd.s32 $0xFFFFE700  }
0x86: {  	[spmem:s2] =	stream.indirect.scatter.add.f32 [tilespmem:s18], [sflag:$0x6], $0x50, s0, s15, $0xb8;
	[tilespmem:$0x1DEC0] =	vst v63  }
0x87: {  	_ =	swait.ge [sflag:s13], $0x1900  }
0x88: {  	[sflag:s13] =	ssyncset.done $0x0  }
0x89: {  	s0 =	sadd.s32 $0x5000, s31;
	[sflag:s13] =	ssyncadd.s32 $0xFFFFE700  }
0x8a: {  	[tilespmem:s18], [sflag:$0x2] =	stream.indirect.gather [hbm4b:s5+s15], $0x50, s0, s15, $0xb8;
	[tilespmem:$0x1DEC0] =	vst v63  }
0x8b: {  	_ =	swait.ge [sflag:s28], $0x1900  }
0x8c: {  	[sflag:s28] =	ssyncset.done $0x0  }
0x8d: {  	s0 =	sadd.s32 $0xA0, s31;
	[sflag:s28] =	ssyncadd.s32 $0xFFFFE700  }
0x8e: {  	[spmem:s2] =	stream.indirect.scatter.add.f32 [tilespmem:s20], [sflag:$0x6], $0x50, s0, s15, $0xb8;
	[tilespmem:$0x1DEC0] =	vst v63  }
0x8f: {  	_ =	swait.ge [sflag:s13], $0x1900  }
0x90: {  	[sflag:s13] =	ssyncset.done $0x0  }
0x91: {  	s0 =	sadd.s32 $0x5050, s31;
	[sflag:s13] =	ssyncadd.s32 $0xFFFFE700  }
0x92: {  	[tilespmem:s20], [sflag:$0x3] =	stream.indirect.gather [hbm4b:s5+s15], $0x50, s0, s15, $0xb8;
	[tilespmem:$0x1DEC0] =	vst v63  }
0x93: {  	_ =	swait.ge [sflag:s29], $0x1900  }
0x94: {  	[sflag:s29] =	ssyncset.done $0x0  }
0x95: {  	s0 =	sadd.s32 $0xF0, s31;
	[sflag:s29] =	ssyncadd.s32 $0xFFFFE700  }
0x96: {  	[spmem:s2] =	stream.indirect.scatter.add.f32 [tilespmem:s22], [sflag:$0x6], $0x50, s0, s15, $0xb8;
	[tilespmem:$0x1DEC0] =	vst v63  }
0x97: {  	_ =	swait.ge [sflag:s13], $0x1900  }
0x98: {  	[sflag:s13] =	ssyncset.done $0x0  }
0x99: {  	s0 =	sadd.s32 $0x50A0, s31;
	[sflag:s13] =	ssyncadd.s32 $0xFFFFE700  }
0x9a: {  	[tilespmem:s22], [sflag:$0x4] =	stream.indirect.gather [hbm4b:s5+s15], $0x50, s0, s15, $0xb8;
	[tilespmem:$0x1DEC0] =	vst v63  }
0x9b: {  	_ =	swait.ge [sflag:s30], $0x1900  }
0x9c: {  	[sflag:s30] =	ssyncset.done $0x0  }
.Ltmp3:
0x9d: {  	s0 =	sadd.s32 $0x140, s31;
	[sflag:s30] =	ssyncadd.s32 $0xFFFFE700;
	(pc) =	sbr.rel @p1 .LBB2_6-.Ltmp3, $4  }
0x9e: {  	[spmem:s2] =	stream.indirect.scatter.add.f32 [tilespmem:s24], [sflag:$0x6], $0x50, s0, s15, $0xb8;
	[tilespmem:$0x1DEC0] =	vst v63  }
0x9f: {  	_ =	swait.ge [sflag:s13], $0x1900  }
0xa0: {  	[sflag:s13] =	ssyncset.done $0x0  }
0xa1: {  	s31 =	sadd.s32 $0x50F0, s31;
	[sflag:s13] =	ssyncadd.s32 $0xFFFFE700  }
.Ltmp4:
0xa2: {  	_ = 	snop;
	(pc) =	sbr.rel .LBB2_7-.Ltmp4, $1  }
0xa3: {  	_ =	sdelay $0x3  }
.LBB2_2:
0xa4: {  	[tilespmem:s16], [sflag:$0x1] =	stream.indirect.gather [hbm4b:s4+s15], $0x50, s14, s15, $0xb8;
	[tilespmem:$0x1DEC0] =	vst v63  }
0xa5: {  	s0 =	simm.s32 $0x4E70  }
0xa6: {  	[tilespmem:s18], [sflag:$0x2] =	stream.indirect.gather [hbm4b:s4+s15], $0x50, s0, s15, $0xb8;
	[tilespmem:$0x1DEC0] =	vst v63  }
0xa7: {  	s23 =	simm.s32 $0x4EC0  }
0xa8: {  	[tilespmem:s20], [sflag:$0x3] =	stream.indirect.gather [hbm4b:s4+s15], $0x50, s23, s15, $0xb8;
	[tilespmem:$0x1DEC0] =	vst v63  }
0xa9: {  	s23 =	simm.s32 $0x4F10  }
0xaa: {  	[tilespmem:s22], [sflag:$0x4] =	stream.indirect.gather [hbm4b:s4+s15], $0x50, s23, s15, $0xb8;
	[tilespmem:$0x1DEC0] =	vst v63  }
0xab: {  	s23 =	simm.s32 $0x4F60  }
0xac: {  	[tilespmem:s24], [sflag:$0x5] =	stream.indirect.gather [hbm4b:s4+s15], $0x50, s23, s15, $0xb8;
	[tilespmem:$0x1DEC0] =	vst v63  }
0xad: {  	_ =	swait.ge [sflag:s25], $0x1900  }
0xae: {  	[sflag:s25] =	ssyncset.done $0x0  }
0xaf: {  	s23 =	simm.s32 $0x0;
	[sflag:s25] =	ssyncadd.s32 $0xFFFFE700  }
0xb0: {  	[spmem:s2] =	stream.indirect.scatter.add.f32 [tilespmem:s16], [sflag:$0x6], $0x50, s23, s15, $0xb8;
	[tilespmem:$0x1DEC0] =	vst v63  }
0xb1: {  	_ =	swait.ge [sflag:s13], $0x1900  }
0xb2: {  	[sflag:s13] =	ssyncset.done $0x0  }
0xb3: {  	s0 =	simm.s32 $0x4FB0;
	[sflag:s13] =	ssyncadd.s32 $0xFFFFE700  }
0xb4: {  	[tilespmem:s16], [sflag:$0x1] =	stream.indirect.gather [hbm4b:s4+s15], $0x50, s0, s15, $0xb8;
	[tilespmem:$0x1DEC0] =	vst v63  }
0xb5: {  	_ =	swait.ge [sflag:s26], $0x1900  }
0xb6: {  	[sflag:s26] =	ssyncset.done $0x0  }
0xb7: {  	s0 =	simm.s32 $0x50;
	[sflag:s26] =	ssyncadd.s32 $0xFFFFE700  }
0xb8: {  	[spmem:s2] =	stream.indirect.scatter.add.f32 [tilespmem:s18], [sflag:$0x6], $0x50, s0, s15, $0xb8;
	[tilespmem:$0x1DEC0] =	vst v63  }
0xb9: {  	_ =	swait.ge [sflag:s13], $0x1900  }
0xba: {  	[sflag:s13] =	ssyncset.done $0x0  }
0xbb: {  	s0 =	simm.s32 $0x5000;
	[sflag:s13] =	ssyncadd.s32 $0xFFFFE700  }
0xbc: {  	[tilespmem:s18], [sflag:$0x2] =	stream.indirect.gather [hbm4b:s4+s15], $0x50, s0, s15, $0xb8;
	[tilespmem:$0x1DEC0] =	vst v63  }
0xbd: {  	_ =	swait.ge [sflag:s28], $0x1900  }
0xbe: {  	[sflag:s28] =	ssyncset.done $0x0  }
0xbf: {  	s0 =	simm.s32 $0xA0;
	[sflag:s28] =	ssyncadd.s32 $0xFFFFE700  }
0xc0: {  	[spmem:s2] =	stream.indirect.scatter.add.f32 [tilespmem:s20], [sflag:$0x6], $0x50, s0, s15, $0xb8;
	[tilespmem:$0x1DEC0] =	vst v63  }
0xc1: {  	_ =	swait.ge [sflag:s13], $0x1900  }
0xc2: {  	[sflag:s13] =	ssyncset.done $0x0  }
0xc3: {  	s0 =	simm.s32 $0x5050;
	[sflag:s13] =	ssyncadd.s32 $0xFFFFE700  }
0xc4: {  	[tilespmem:s20], [sflag:$0x3] =	stream.indirect.gather [hbm4b:s4+s15], $0x50, s0, s15, $0xb8;
	[tilespmem:$0x1DEC0] =	vst v63  }
0xc5: {  	_ =	swait.ge [sflag:s29], $0x1900  }
0xc6: {  	[sflag:s29] =	ssyncset.done $0x0  }
0xc7: {  	s0 =	simm.s32 $0xF0;
	[sflag:s29] =	ssyncadd.s32 $0xFFFFE700  }
0xc8: {  	[spmem:s2] =	stream.indirect.scatter.add.f32 [tilespmem:s22], [sflag:$0x6], $0x50, s0, s15, $0xb8;
	[tilespmem:$0x1DEC0] =	vst v63  }
0xc9: {  	_ =	swait.ge [sflag:s13], $0x1900  }
0xca: {  	[sflag:s13] =	ssyncset.done $0x0  }
0xcb: {  	s0 =	simm.s32 $0x50A0;
	[sflag:s13] =	ssyncadd.s32 $0xFFFFE700  }
0xcc: {  	[tilespmem:s22], [sflag:$0x4] =	stream.indirect.gather [hbm4b:s4+s15], $0x50, s0, s15, $0xb8;
	[tilespmem:$0x1DEC0] =	vst v63  }
0xcd: {  	_ =	swait.ge [sflag:s30], $0x1900  }
0xce: {  	[sflag:s30] =	ssyncset.done $0x0  }
0xcf: {  	s0 =	simm.s32 $0x140;
	[sflag:s30] =	ssyncadd.s32 $0xFFFFE700  }
0xd0: {  	[spmem:s2] =	stream.indirect.scatter.add.f32 [tilespmem:s24], [sflag:$0x6], $0x50, s0, s15, $0xb8;
	[tilespmem:$0x1DEC0] =	vst v63  }
0xd1: {  	_ =	swait.ge [sflag:s13], $0x1900  }
0xd2: {  	[sflag:s13] =	ssyncset.done $0x0  }
0xd3: {  	s31 =	simm.s32 $0x50F0;
	s23 =	simm.s32 $0x640;
	[sflag:s13] =	ssyncadd.s32 $0xFFFFE700  }
.LBB2_3:
0xd4: {  	[tilespmem:s24], [sflag:$0x5] =	stream.indirect.gather [hbm4b:s4+s15], $0x50, s31, s15, $0xb8;
	[tilespmem:$0x1DEC0] =	vst v63  }
0xd5: {  	s31 =	smov.u32 s23  }
0xd6: {  	p1 =	seq.s32 s23, $0x12C00;
	s23 =	sadd.s32 $0x640, s23;
	_ =	swait.ge [sflag:s25], $0x1900  }
0xd7: {  	[sflag:s25] =	ssyncset.done $0x0  }
0xd8: {  	s31 =	sshra.s32 s31, $0x2;
	[sflag:s25] =	ssyncadd.s32 $0xFFFFE700  }
0xd9: {  	[spmem:s2] =	stream.indirect.scatter.add.f32 [tilespmem:s16], [sflag:$0x6], $0x50, s31, s15, $0xb8;
	[tilespmem:$0x1DEC0] =	vst v63  }
0xda: {  	_ =	swait.ge [sflag:s13], $0x1900  }
0xdb: {  	[sflag:s13] =	ssyncset.done $0x0  }
0xdc: {  	s0 =	sadd.s32 $0x4FB0, s31;
	[sflag:s13] =	ssyncadd.s32 $0xFFFFE700  }
0xdd: {  	[tilespmem:s16], [sflag:$0x1] =	stream.indirect.gather [hbm4b:s4+s15], $0x50, s0, s15, $0xb8;
	[tilespmem:$0x1DEC0] =	vst v63  }
0xde: {  	_ =	swait.ge [sflag:s26], $0x1900  }
0xdf: {  	[sflag:s26] =	ssyncset.done $0x0  }
0xe0: {  	s0 =	sadd.s32 $0x50, s31;
	[sflag:s26] =	ssyncadd.s32 $0xFFFFE700  }
0xe1: {  	[spmem:s2] =	stream.indirect.scatter.add.f32 [tilespmem:s18], [sflag:$0x6], $0x50, s0, s15, $0xb8;
	[tilespmem:$0x1DEC0] =	vst v63  }
0xe2: {  	_ =	swait.ge [sflag:s13], $0x1900  }
0xe3: {  	[sflag:s13] =	ssyncset.done $0x0  }
0xe4: {  	s0 =	sadd.s32 $0x5000, s31;
	[sflag:s13] =	ssyncadd.s32 $0xFFFFE700  }
0xe5: {  	[tilespmem:s18], [sflag:$0x2] =	stream.indirect.gather [hbm4b:s4+s15], $0x50, s0, s15, $0xb8;
	[tilespmem:$0x1DEC0] =	vst v63  }
0xe6: {  	_ =	swait.ge [sflag:s28], $0x1900  }
0xe7: {  	[sflag:s28] =	ssyncset.done $0x0  }
0xe8: {  	s0 =	sadd.s32 $0xA0, s31;
	[sflag:s28] =	ssyncadd.s32 $0xFFFFE700  }
0xe9: {  	[spmem:s2] =	stream.indirect.scatter.add.f32 [tilespmem:s20], [sflag:$0x6], $0x50, s0, s15, $0xb8;
	[tilespmem:$0x1DEC0] =	vst v63  }
0xea: {  	_ =	swait.ge [sflag:s13], $0x1900  }
0xeb: {  	[sflag:s13] =	ssyncset.done $0x0  }
0xec: {  	s0 =	sadd.s32 $0x5050, s31;
	[sflag:s13] =	ssyncadd.s32 $0xFFFFE700  }
0xed: {  	[tilespmem:s20], [sflag:$0x3] =	stream.indirect.gather [hbm4b:s4+s15], $0x50, s0, s15, $0xb8;
	[tilespmem:$0x1DEC0] =	vst v63  }
0xee: {  	_ =	swait.ge [sflag:s29], $0x1900  }
0xef: {  	[sflag:s29] =	ssyncset.done $0x0  }
0xf0: {  	s0 =	sadd.s32 $0xF0, s31;
	[sflag:s29] =	ssyncadd.s32 $0xFFFFE700  }
0xf1: {  	[spmem:s2] =	stream.indirect.scatter.add.f32 [tilespmem:s22], [sflag:$0x6], $0x50, s0, s15, $0xb8;
	[tilespmem:$0x1DEC0] =	vst v63  }
0xf2: {  	_ =	swait.ge [sflag:s13], $0x1900  }
0xf3: {  	[sflag:s13] =	ssyncset.done $0x0  }
0xf4: {  	s0 =	sadd.s32 $0x50A0, s31;
	[sflag:s13] =	ssyncadd.s32 $0xFFFFE700  }
0xf5: {  	[tilespmem:s22], [sflag:$0x4] =	stream.indirect.gather [hbm4b:s4+s15], $0x50, s0, s15, $0xb8;
	[tilespmem:$0x1DEC0] =	vst v63  }
0xf6: {  	_ =	swait.ge [sflag:s30], $0x1900  }
0xf7: {  	[sflag:s30] =	ssyncset.done $0x0  }
.Ltmp5:
0xf8: {  	s0 =	sadd.s32 $0x140, s31;
	[sflag:s30] =	ssyncadd.s32 $0xFFFFE700;
	(pc) =	sbr.rel @!p1 .LBB2_3-.Ltmp5, $4  }
0xf9: {  	[spmem:s2] =	stream.indirect.scatter.add.f32 [tilespmem:s24], [sflag:$0x6], $0x50, s0, s15, $0xb8;
	[tilespmem:$0x1DEC0] =	vst v63  }
0xfa: {  	_ =	swait.ge [sflag:s13], $0x1900  }
0xfb: {  	[sflag:s13] =	ssyncset.done $0x0  }
0xfc: {  	s31 =	sadd.s32 $0x50F0, s31;
	[sflag:s13] =	ssyncadd.s32 $0xFFFFE700  }
.Ltmp6:
0xfd: {  	(pc) =	sbr.rel .LBB2_8-.Ltmp6, $2  }
0xfe: {  	_ =	sdelay $0x2  }
0xff: {  	[tilespmem:s24], [sflag:$0x5] =	stream.indirect.gather [hbm4b:s4+s15], $0x50, s31, s15, $0xb8;
	[tilespmem:$0x1DEC0] =	vst v63  }
.LBB2_9:
0x100: {  	_ =	sfence.sel $0x180000  }
0x101: {  	[bflag:$0x0] =	sbarrier.arrive $0xFFFF  }
0x102: {  	_ =	strace $0x90000047  }
0x103: {  	s0 =	stileid.u32;
	[bflag:$0x2] =	sbarrier.arrive $0xFFFF  }
0x104: {  	p0 =	sne.s32 s0, $0x0;
	s0 =	rddreg [dreg:$0x3]  }
0x105: {  	s0 =	sadd.s32 @!p0 $0x100000, s0  }
0x106: {  	[sflag:s0] =	ssyncadd.tile.s32 @!p0 $0x1;
	_ =	shalt  }
.Lfunc_end2:
_tile_overlayer_lowered:
.L_overlay_start_2:
0x107: {  	(tag) =	ssettag $0x2  }
0x108: {  	s0 =	rddreg [dreg:$0x0];
	s2 =	stileid.u32  }
0x109: {  	s1 =	rddreg [dreg:$0x1];
	p0 =	sne.s32 s2, $0x0  }
0x10a: {  	s3 =	rddreg [dreg:$0x2];
	[bflag:$0x3] =	sbarrier.arrive $0xFFFF;
	s2 =	simm.s32 @!p0 $0x1C06  }
0x10b: {  	[timem:s3], [sflag:s2] =	dma.local @!p0 [hbm:s0], s1  }
0x10c: {  	s0 =	simm.s32 @!p0 $0x6  }
0x10d: {  	_ =	swait.ge @!p0 [sflag:s0], s1  }
0x10e: {  	s1 =	ssub.s32 @!p0 $0x0, s1;
	[sflag:s0] =	ssyncset.done @!p0 $0x0  }
0x10f: {  	[sflag:s0] =	ssyncadd.s32 @!p0 s1  }
0x110: {  	[bflag:$0x3] =	sbarrier.arrive $0xFFFF  }
0x111: {  	_ =	shalt  }

</sc_bundles>
